<compile_context>
chip_gen: v7x
topology: tpu7x:2x2x1
jax: 0.10.2.dev20260603
libtpu: 0.0.44.dev20260713+nightly
codegen_flags: <defaults>
</compile_context>

<pallas_src>
import functools

import jax
import jax.numpy as jnp
from jax import lax
from jax.experimental import pallas as pl
from jax.experimental.pallas import tpu as pltpu
from jax.experimental.pallas import tpu_sc as plsc

_NUM_CORES = 2
_NUM_SUBCORES = 16
_NW = _NUM_CORES * _NUM_SUBCORES
_NBUF = 5
_GLEAD = 3


@functools.partial(jax.jit, static_argnums=(2, 3))
def _sc_gather(table, idx, n_total, chunk):
    dim = table.shape[1]
    n_per_w = n_total // _NW
    s_len = idx.shape[1]
    w_per_row = s_len // n_per_w
    n_chunks = n_per_w // chunk
    n_head = _NBUF - _GLEAD
    n_tail = _NBUF - _GLEAD
    n_main = n_chunks - n_head - n_tail
    assert n_main % _NBUF == 0 and n_chunks >= 2 * _NBUF
    mesh = plsc.VectorSubcoreMesh(core_axis_name="c", subcore_axis_name="s")

    @functools.partial(
        pl.kernel,
        out_type=jax.ShapeDtypeStruct((n_total, dim), jnp.float32),
        mesh=mesh,
        scratch_types=[
            pltpu.VMEM((n_per_w,), jnp.int32),
            [pltpu.VMEM((chunk, dim), jnp.float32) for _ in range(_NBUF)],
            [pltpu.SemaphoreType.DMA for _ in range(_NBUF)],
            [pltpu.SemaphoreType.DMA for _ in range(_NBUF)],
        ],
    )
    def k(table_hbm, idx_hbm, out_hbm, idx_v, bufs, sem_g, sem_s):
        wid = lax.axis_index("c") * _NUM_SUBCORES + lax.axis_index("s")
        base = wid * n_per_w
        pltpu.sync_copy(
            idx_hbm.at[wid // w_per_row, pl.ds((wid % w_per_row) * n_per_w, n_per_w)],
            idx_v,
        )

        def gather_copy(c, b):
            return pltpu.make_async_copy(
                table_hbm.at[idx_v.at[pl.ds(c * chunk, chunk)]], bufs[b], sem_g[b]
            )

        def scatter_copy(c, b):
            return pltpu.make_async_copy(
                bufs[b], out_hbm.at[pl.ds(base + c * chunk, chunk)], sem_s[b]
            )

        def step(c, j, wait_prev, start_next):
            nb = (j + _GLEAD) % _NBUF
            if wait_prev:
                scatter_copy(c + _GLEAD - _NBUF, nb).wait()
            if start_next is True:
                gather_copy(c + _GLEAD, nb).start()
            elif start_next is not False:

                @pl.when(start_next)
                def _g():
                    gather_copy(c + _GLEAD, nb).start()

            gather_copy(c, j).wait()
            scatter_copy(c, j).start()

        for c in range(_GLEAD):
            gather_copy(c, c).start()

        for c in range(n_head):
            step(c, c, wait_prev=False, start_next=True)

        @pl.loop(n_head, n_head + n_main, step=_NBUF)
        def _block(o):
            for j0 in range(_NBUF):
                c = o + j0
                step(c, (n_head + j0) % _NBUF, True, c + _GLEAD < n_chunks)

        for c in range(n_head + n_main, n_chunks):
            step(c, c % _NBUF, wait_prev=True, start_next=False)
        for c in range(n_chunks - _NBUF + _GLEAD, n_chunks):
            scatter_copy(c, c % _NBUF).wait()

    return k(table, idx)


def kernel(Position, pos_embed_weight):
    b, s = Position.shape
    out = _sc_gather(pos_embed_weight, Position, b * s, 8)
    return out.reshape(b, s, pos_embed_weight.shape[1])

# --- scband reference (transcript-rebuilt; emitter-appended) ---
"""Pipeline reference for scband-pos-l3-embed-21397527068733 (READ-ONLY COPY).

The authoritative reference and input builder live on the scoring server;
editing this copy changes nothing except your own understanding.
"""

import jax, jax.numpy as jnp
import numpy as np

MAX_LEN = 8192
DIM = 2048
BATCH = 2
SEQ = 8192

def setup_inputs(seed: int = 0) -> dict:
    key = jax.random.key(seed)
    k_idx, k_tab = jax.random.split(key)
    Position = jax.random.randint(k_idx, (BATCH, SEQ), 0, MAX_LEN, dtype=jnp.int32)
    # nn.Embedding default init: N(0, 1)
    pos_embed_weight = jax.random.normal(k_tab, (MAX_LEN, DIM), dtype=jnp.float32)
    return {"Position": Position, "pos_embed_weight": pos_embed_weight}

def reference(Position, pos_embed_weight):
    # position_embed = self.pos_embed(Position)
    position_embed = jnp.take(pos_embed_weight, Position, axis=0)
    return position_embed

if __name__ == "__main__":
    import jax
    _d = setup_inputs()
    print(jax.jit(kernel)(*tuple(_d.values())))

</pallas_src>

<mosaic_0001>
#map = affine_map<(d0, d1) -> (0, 0)>
module attributes {stable_mosaic.version = 14 : i64} {
  func.func @k(%arg0: i32, %arg1: i32, %arg2: memref<8192x2048xf32, #tpu.memory_space<hbm>>, %arg3: memref<2x8192xi32, #tpu.memory_space<hbm>>, %arg4: memref<16384x2048xf32, #tpu.memory_space<hbm>>, %arg5: memref<512xi32, #tpu.memory_space<vmem>>, %arg6: memref<8x2048xf32, #tpu.memory_space<vmem>>, %arg7: memref<8x2048xf32, #tpu.memory_space<vmem>>, %arg8: memref<8x2048xf32, #tpu.memory_space<vmem>>, %arg9: memref<8x2048xf32, #tpu.memory_space<vmem>>, %arg10: memref<8x2048xf32, #tpu.memory_space<vmem>>, %arg11: memref<!tpu.dma_semaphore, #tpu.memory_space<semaphore_mem>>, %arg12: memref<!tpu.dma_semaphore, #tpu.memory_space<semaphore_mem>>, %arg13: memref<!tpu.dma_semaphore, #tpu.memory_space<semaphore_mem>>, %arg14: memref<!tpu.dma_semaphore, #tpu.memory_space<semaphore_mem>>, %arg15: memref<!tpu.dma_semaphore, #tpu.memory_space<semaphore_mem>>, %arg16: memref<!tpu.dma_semaphore, #tpu.memory_space<semaphore_mem>>, %arg17: memref<!tpu.dma_semaphore, #tpu.memory_space<semaphore_mem>>, %arg18: memref<!tpu.dma_semaphore, #tpu.memory_space<semaphore_mem>>, %arg19: memref<!tpu.dma_semaphore, #tpu.memory_space<semaphore_mem>>, %arg20: memref<!tpu.dma_semaphore, #tpu.memory_space<semaphore_mem>>) attributes {dimension_semantics = [#tpu.dimension_semantics<core_parallel>, #tpu.dimension_semantics<subcore_parallel>], iteration_bounds = array<i64: 2, 16>, scalar_prefetch = 0 : i64, scratch_operands = 16 : i64, tpu.core_type = #tpu.core_type<sc_vector_subcore>, window_params = [{transform_indices = #map}, {transform_indices = #map}, {transform_indices = #map}]} {
    %mul3A = arith.constant 16 : i32
    %mul3A_0 = arith.muli %arg0, %mul3A : i32
    %add3A = arith.addi %mul3A_0, %arg1 : i32
    %mul3A_1 = arith.constant 512 : i32
    %mul3A_2 = arith.muli %add3A, %mul3A_1 : i32
    %jit3A = arith.constant 16 : i32
    %div3A = arith.divsi %add3A, %jit3A : i32
    %sign3A = arith.constant 0 : i32
    %sign3A_3 = arith.cmpi sgt, %add3A, %sign3A : i32
    %sign3A_4 = arith.extui %sign3A_3 : i1 to i32
    %sign3A_5 = arith.constant 0 : i32
    %sign3A_6 = arith.cmpi slt, %add3A, %sign3A_5 : i32
    %sign3A_7 = arith.extui %sign3A_6 : i1 to i32
    %sign3A_8 = arith.subi %sign3A_4, %sign3A_7 : i32
    %sign3A_9 = arith.constant 0 : i32
    %sign3A_10 = arith.cmpi sgt, %jit3A, %sign3A_9 : i32
    %sign3A_11 = arith.extui %sign3A_10 : i1 to i32
    %sign3A_12 = arith.constant 0 : i32
    %sign3A_13 = arith.cmpi slt, %jit3A, %sign3A_12 : i32
    %sign3A_14 = arith.extui %sign3A_13 : i1 to i32
    %sign3A_15 = arith.subi %sign3A_11, %sign3A_14 : i32
    %ne3A = arith.cmpi ne, %sign3A_8, %sign3A_15 : i32
    %rem3A = arith.remsi %add3A, %jit3A : i32
    %ne3A_16 = arith.constant 0 : i32
    %ne3A_17 = arith.cmpi ne, %rem3A, %ne3A_16 : i32
    %and3A = arith.andi %ne3A, %ne3A_17 : i1
    %sub3A = arith.constant 1 : i32
    %sub3A_18 = arith.subi %div3A, %sub3A : i32
    %select_n3A = arith.select %and3A, %sub3A_18, %div3A : i32
    %jit3A_19 = arith.constant 16 : i32
    %eq3A = arith.constant 0 : i32
    %eq3A_20 = arith.cmpi eq, %jit3A_19, %eq3A : i32
    %jit3A_21 = arith.constant 1 : i32
    %select_n3A_22 = arith.select %eq3A_20, %jit3A_21, %jit3A_19 : i32
    %rem3A_23 = arith.remsi %add3A, %select_n3A_22 : i32
    %ne3A_24 = arith.constant 0 : i32
    %ne3A_25 = arith.cmpi ne, %rem3A_23, %ne3A_24 : i32
    %lt3A = arith.constant 0 : i32
    %lt3A_26 = arith.cmpi slt, %rem3A_23, %lt3A : i32
    %lt3A_27 = arith.constant 0 : i32
    %lt3A_28 = arith.cmpi slt, %select_n3A_22, %lt3A_27 : i32
    %ne3A_29 = arith.xori %lt3A_26, %lt3A_28 : i1
    %and3A_30 = arith.andi %ne3A_29, %ne3A_25 : i1
    %add3A_31 = arith.addi %rem3A_23, %select_n3A_22 : i32
    %select_n3A_32 = arith.select %and3A_30, %add3A_31, %rem3A_23 : i32
    %mul3A_33 = arith.constant 512 : i32
    %mul3A_34 = arith.muli %select_n3A_32, %mul3A_33 : i32
    "tpu.region"() ({
      %run_scoped3A = tpu.sem_alloc : memref<!tpu.dma_semaphore, #tpu.memory_space<semaphore_mem>>
      %dma_start3A_130 = tpu.memref_slice %arg3[%select_n3A, %mul3A_34] : memref<2x8192xi32, #tpu.memory_space<hbm>> -> memref<1x512xi32, #tpu.memory_space<hbm>>
      %dma_start3A_131 = tpu.memref_squeeze %dma_start3A_130 : memref<1x512xi32, #tpu.memory_space<hbm>> -> memref<512xi32, #tpu.memory_space<hbm>>
      %dma_start3A_132 = tpu.memref_slice %arg3[%select_n3A, %mul3A_34] : memref<2x8192xi32, #tpu.memory_space<hbm>> -> memref<1x512xi32, #tpu.memory_space<hbm>>
      %dma_start3A_133 = tpu.memref_squeeze %dma_start3A_132 : memref<1x512xi32, #tpu.memory_space<hbm>> -> memref<512xi32, #tpu.memory_space<hbm>>
      tpu.enqueue_dma source(%dma_start3A_133 : memref<512xi32, #tpu.memory_space<hbm>>) target(%arg5 : memref<512xi32, #tpu.memory_space<vmem>>) target_semaphore(%run_scoped3A : memref<!tpu.dma_semaphore, #tpu.memory_space<semaphore_mem>>)
      %dma_wait3A_134 = tpu.memref_slice %arg3[%select_n3A, %mul3A_34] : memref<2x8192xi32, #tpu.memory_space<hbm>> -> memref<1x512xi32, #tpu.memory_space<hbm>>
      %dma_wait3A_135 = tpu.memref_squeeze %dma_wait3A_134 : memref<1x512xi32, #tpu.memory_space<hbm>> -> memref<512xi32, #tpu.memory_space<hbm>>
      %dma_wait3A_136 = tpu.memref_slice %arg3[%select_n3A, %mul3A_34] : memref<2x8192xi32, #tpu.memory_space<hbm>> -> memref<1x512xi32, #tpu.memory_space<hbm>>
      %dma_wait3A_137 = tpu.memref_squeeze %dma_wait3A_136 : memref<1x512xi32, #tpu.memory_space<hbm>> -> memref<512xi32, #tpu.memory_space<hbm>>
      tpu.wait_dma2 semaphore(%run_scoped3A : memref<!tpu.dma_semaphore, #tpu.memory_space<semaphore_mem>>) src(%dma_wait3A_137 : memref<512xi32, #tpu.memory_space<hbm>>) dst(%arg5 : memref<512xi32, #tpu.memory_space<vmem>>)
      tpu.yield
    }) : () -> ()
    %dma_start3A = arith.constant 0 : i32
    %dma_start3A_35 = tpu.memref_slice %arg5[%dma_start3A] : memref<512xi32, #tpu.memory_space<vmem>> -> memref<8xi32, #tpu.memory_space<vmem>>
    %dma_start3A_36 = arith.constant 0 : i32
    %dma_start3A_37 = arith.constant 0 : i32
    %dma_start3A_38 = tpu.memref_slice %arg2[%dma_start3A_36, %dma_start3A_37] : memref<8192x2048xf32, #tpu.memory_space<hbm>> -> memref<8192x2048xf32, #tpu.memory_space<hbm>>
    tpu.enqueue_indirect_dma source(%dma_start3A_38 : memref<8192x2048xf32, #tpu.memory_space<hbm>>) target(%arg6 : memref<8x2048xf32, #tpu.memory_space<vmem>>) offsets(%dma_start3A_35 : memref<8xi32, #tpu.memory_space<vmem>>) semaphore(%arg11 : memref<!tpu.dma_semaphore, #tpu.memory_space<semaphore_mem>>)
    %dma_start3A_39 = arith.constant 8 : i32
    %dma_start3A_40 = tpu.memref_slice %arg5[%dma_start3A_39] : memref<512xi32, #tpu.memory_space<vmem>> -> memref<8xi32, #tpu.memory_space<vmem>>
    %dma_start3A_41 = arith.constant 0 : i32
    %dma_start3A_42 = arith.constant 0 : i32
    %dma_start3A_43 = tpu.memref_slice %arg2[%dma_start3A_41, %dma_start3A_42] : memref<8192x2048xf32, #tpu.memory_space<hbm>> -> memref<8192x2048xf32, #tpu.memory_space<hbm>>
    tpu.enqueue_indirect_dma source(%dma_start3A_43 : memref<8192x2048xf32, #tpu.memory_space<hbm>>) target(%arg7 : memref<8x2048xf32, #tpu.memory_space<vmem>>) offsets(%dma_start3A_40 : memref<8xi32, #tpu.memory_space<vmem>>) semaphore(%arg12 : memref<!tpu.dma_semaphore, #tpu.memory_space<semaphore_mem>>)
    %dma_start3A_44 = arith.constant 16 : i32
    %dma_start3A_45 = tpu.memref_slice %arg5[%dma_start3A_44] : memref<512xi32, #tpu.memory_space<vmem>> -> memref<8xi32, #tpu.memory_space<vmem>>
    %dma_start3A_46 = arith.constant 0 : i32
    %dma_start3A_47 = arith.constant 0 : i32
    %dma_start3A_48 = tpu.memref_slice %arg2[%dma_start3A_46, %dma_start3A_47] : memref<8192x2048xf32, #tpu.memory_space<hbm>> -> memref<8192x2048xf32, #tpu.memory_space<hbm>>
    tpu.enqueue_indirect_dma source(%dma_start3A_48 : memref<8192x2048xf32, #tpu.memory_space<hbm>>) target(%arg8 : memref<8x2048xf32, #tpu.memory_space<vmem>>) offsets(%dma_start3A_45 : memref<8xi32, #tpu.memory_space<vmem>>) semaphore(%arg13 : memref<!tpu.dma_semaphore, #tpu.memory_space<semaphore_mem>>)
    %dma_start3A_49 = arith.constant 24 : i32
    %dma_start3A_50 = tpu.memref_slice %arg5[%dma_start3A_49] : memref<512xi32, #tpu.memory_space<vmem>> -> memref<8xi32, #tpu.memory_space<vmem>>
    %dma_start3A_51 = arith.constant 0 : i32
    %dma_start3A_52 = arith.constant 0 : i32
    %dma_start3A_53 = tpu.memref_slice %arg2[%dma_start3A_51, %dma_start3A_52] : memref<8192x2048xf32, #tpu.memory_space<hbm>> -> memref<8192x2048xf32, #tpu.memory_space<hbm>>
    tpu.enqueue_indirect_dma source(%dma_start3A_53 : memref<8192x2048xf32, #tpu.memory_space<hbm>>) target(%arg9 : memref<8x2048xf32, #tpu.memory_space<vmem>>) offsets(%dma_start3A_50 : memref<8xi32, #tpu.memory_space<vmem>>) semaphore(%arg14 : memref<!tpu.dma_semaphore, #tpu.memory_space<semaphore_mem>>)
    %dma_wait3A = arith.constant 0 : i32
    %dma_wait3A_54 = tpu.memref_slice %arg5[%dma_wait3A] : memref<512xi32, #tpu.memory_space<vmem>> -> memref<8xi32, #tpu.memory_space<vmem>>
    %dma_wait3A_55 = arith.constant 0 : i32
    %dma_wait3A_56 = arith.constant 0 : i32
    %dma_wait3A_57 = tpu.memref_slice %arg2[%dma_wait3A_55, %dma_wait3A_56] : memref<8192x2048xf32, #tpu.memory_space<hbm>> -> memref<8192x2048xf32, #tpu.memory_space<hbm>>
    tpu.wait_indirect_dma semaphore(%arg11 : memref<!tpu.dma_semaphore, #tpu.memory_space<semaphore_mem>>) src(%dma_wait3A_57 : memref<8192x2048xf32, #tpu.memory_space<hbm>>) dst(%arg6 : memref<8x2048xf32, #tpu.memory_space<vmem>>)
    %add3A_58 = arith.constant 0 : i32
    %add3A_59 = arith.addi %mul3A_2, %add3A_58 : i32
    %dma_start3A_60 = arith.constant 0 : i32
    %dma_start3A_61 = tpu.memref_slice %arg4[%add3A_59, %dma_start3A_60] : memref<16384x2048xf32, #tpu.memory_space<hbm>> -> memref<8x2048xf32, #tpu.memory_space<hbm>>
    %dma_start3A_62 = arith.constant 0 : i32
    %dma_start3A_63 = tpu.memref_slice %arg4[%add3A_59, %dma_start3A_62] : memref<16384x2048xf32, #tpu.memory_space<hbm>> -> memref<8x2048xf32, #tpu.memory_space<hbm>>
    tpu.enqueue_dma source(%arg6 : memref<8x2048xf32, #tpu.memory_space<vmem>>) target(%dma_start3A_63 : memref<8x2048xf32, #tpu.memory_space<hbm>>) target_semaphore(%arg16 : memref<!tpu.dma_semaphore, #tpu.memory_space<semaphore_mem>>)
    %dma_start3A_64 = arith.constant 32 : i32
    %dma_start3A_65 = tpu.memref_slice %arg5[%dma_start3A_64] : memref<512xi32, #tpu.memory_space<vmem>> -> memref<8xi32, #tpu.memory_space<vmem>>
    %dma_start3A_66 = arith.constant 0 : i32
    %dma_start3A_67 = arith.constant 0 : i32
    %dma_start3A_68 = tpu.memref_slice %arg2[%dma_start3A_66, %dma_start3A_67] : memref<8192x2048xf32, #tpu.memory_space<hbm>> -> memref<8192x2048xf32, #tpu.memory_space<hbm>>
    tpu.enqueue_indirect_dma source(%dma_start3A_68 : memref<8192x2048xf32, #tpu.memory_space<hbm>>) target(%arg10 : memref<8x2048xf32, #tpu.memory_space<vmem>>) offsets(%dma_start3A_65 : memref<8xi32, #tpu.memory_space<vmem>>) semaphore(%arg15 : memref<!tpu.dma_semaphore, #tpu.memory_space<semaphore_mem>>)
    %dma_wait3A_69 = arith.constant 8 : i32
    %dma_wait3A_70 = tpu.memref_slice %arg5[%dma_wait3A_69] : memref<512xi32, #tpu.memory_space<vmem>> -> memref<8xi32, #tpu.memory_space<vmem>>
    %dma_wait3A_71 = arith.constant 0 : i32
    %dma_wait3A_72 = arith.constant 0 : i32
    %dma_wait3A_73 = tpu.memref_slice %arg2[%dma_wait3A_71, %dma_wait3A_72] : memref<8192x2048xf32, #tpu.memory_space<hbm>> -> memref<8192x2048xf32, #tpu.memory_space<hbm>>
    tpu.wait_indirect_dma semaphore(%arg12 : memref<!tpu.dma_semaphore, #tpu.memory_space<semaphore_mem>>) src(%dma_wait3A_73 : memref<8192x2048xf32, #tpu.memory_space<hbm>>) dst(%arg7 : memref<8x2048xf32, #tpu.memory_space<vmem>>)
    %add3A_74 = arith.constant 8 : i32
    %add3A_75 = arith.addi %mul3A_2, %add3A_74 : i32
    %dma_start3A_76 = arith.constant 0 : i32
    %dma_start3A_77 = tpu.memref_slice %arg4[%add3A_75, %dma_start3A_76] : memref<16384x2048xf32, #tpu.memory_space<hbm>> -> memref<8x2048xf32, #tpu.memory_space<hbm>>
    %dma_start3A_78 = arith.constant 0 : i32
    %dma_start3A_79 = tpu.memref_slice %arg4[%add3A_75, %dma_start3A_78] : memref<16384x2048xf32, #tpu.memory_space<hbm>> -> memref<8x2048xf32, #tpu.memory_space<hbm>>
    tpu.enqueue_dma source(%arg7 : memref<8x2048xf32, #tpu.memory_space<vmem>>) target(%dma_start3A_79 : memref<8x2048xf32, #tpu.memory_space<hbm>>) target_semaphore(%arg17 : memref<!tpu.dma_semaphore, #tpu.memory_space<semaphore_mem>>)
    %scan3A = arith.constant 0 : i32
    %scan3A_80 = arith.constant 12 : i32
    %scan3A_81 = arith.addi %scan3A, %scan3A_80 : i32
    %scan3A_82 = arith.constant 1 : i32
    scf.for %scan3A_130 = %scan3A to %scan3A_81 step %scan3A_82  : i32 {
      %mul3A_131 = arith.constant 5 : i32
      %mul3A_132 = arith.muli %scan3A_130, %mul3A_131 : i32
      %add3A_133 = arith.constant 2 : i32
      %add3A_134 = arith.addi %add3A_133, %mul3A_132 : i32
      %add3A_135 = arith.constant 0 : i32
      %add3A_136 = arith.addi %add3A_134, %add3A_135 : i32
      %add3A_137 = arith.constant 3 : i32
      %add3A_138 = arith.addi %add3A_136, %add3A_137 : i32
      %lt3A_139 = arith.constant 64 : i32
      %lt3A_140 = arith.cmpi slt, %add3A_138, %lt3A_139 : i32
      %add3A_141 = arith.constant 3 : i32
      %add3A_142 = arith.addi %add3A_136, %add3A_141 : i32
      %sub3A_143 = arith.constant 5 : i32
      %sub3A_144 = arith.subi %add3A_142, %sub3A_143 : i32
      %mul3A_145 = arith.constant 8 : i32
      %mul3A_146 = arith.muli %sub3A_144, %mul3A_145 : i32
      %add3A_147 = arith.addi %mul3A_2, %mul3A_146 : i32
      %dma_wait3A_148 = arith.constant 0 : i32
      %dma_wait3A_149 = tpu.memref_slice %arg4[%add3A_147, %dma_wait3A_148] : memref<16384x2048xf32, #tpu.memory_space<hbm>> -> memref<8x2048xf32, #tpu.memory_space<hbm>>
      %dma_wait3A_150 = arith.constant 0 : i32
      %dma_wait3A_151 = tpu.memref_slice %arg4[%add3A_147, %dma_wait3A_150] : memref<16384x2048xf32, #tpu.memory_space<hbm>> -> memref<8x2048xf32, #tpu.memory_space<hbm>>
      tpu.wait_dma2 semaphore(%arg16 : memref<!tpu.dma_semaphore, #tpu.memory_space<semaphore_mem>>) src(%arg6 : memref<8x2048xf32, #tpu.memory_space<vmem>>) dst(%dma_wait3A_151 : memref<8x2048xf32, #tpu.memory_space<hbm>>)
      %convert_element_type3A = arith.extui %lt3A_140 : i1 to i32
      %cond3A = arith.constant 0 : i32
      %cond3A_152 = arith.cmpi ne, %convert_element_type3A, %cond3A : i32
      scf.if %cond3A_152 {
        %add3A_298 = arith.constant 3 : i32
        %add3A_299 = arith.addi %add3A_136, %add3A_298 : i32
        %mul3A_300 = arith.constant 8 : i32
        %mul3A_301 = arith.muli %add3A_299, %mul3A_300 : i32
        %dma_start3A_302 = tpu.memref_slice %arg5[%mul3A_301] : memref<512xi32, #tpu.memory_space<vmem>> -> memref<8xi32, #tpu.memory_space<vmem>>
        %dma_start3A_303 = arith.constant 0 : i32
        %dma_start3A_304 = arith.constant 0 : i32
        %dma_start3A_305 = tpu.memref_slice %arg2[%dma_start3A_303, %dma_start3A_304] : memref<8192x2048xf32, #tpu.memory_space<hbm>> -> memref<8192x2048xf32, #tpu.memory_space<hbm>>
        tpu.enqueue_indirect_dma source(%dma_start3A_305 : memref<8192x2048xf32, #tpu.memory_space<hbm>>) target(%arg6 : memref<8x2048xf32, #tpu.memory_space<vmem>>) offsets(%dma_start3A_302 : memref<8xi32, #tpu.memory_space<vmem>>) semaphore(%arg11 : memref<!tpu.dma_semaphore, #tpu.memory_space<semaphore_mem>>)
      } else {
      }
      %mul3A_153 = arith.constant 8 : i32
      %mul3A_154 = arith.muli %add3A_136, %mul3A_153 : i32
      %dma_wait3A_155 = tpu.memref_slice %arg5[%mul3A_154] : memref<512xi32, #tpu.memory_space<vmem>> -> memref<8xi32, #tpu.memory_space<vmem>>
      %dma_wait3A_156 = arith.constant 0 : i32
      %dma_wait3A_157 = arith.constant 0 : i32
      %dma_wait3A_158 = tpu.memref_slice %arg2[%dma_wait3A_156, %dma_wait3A_157] : memref<8192x2048xf32, #tpu.memory_space<hbm>> -> memref<8192x2048xf32, #tpu.memory_space<hbm>>
      tpu.wait_indirect_dma semaphore(%arg13 : memref<!tpu.dma_semaphore, #tpu.memory_space<semaphore_mem>>) src(%dma_wait3A_158 : memref<8192x2048xf32, #tpu.memory_space<hbm>>) dst(%arg8 : memref<8x2048xf32, #tpu.memory_space<vmem>>)
      %mul3A_159 = arith.constant 8 : i32
      %mul3A_160 = arith.muli %add3A_136, %mul3A_159 : i32
      %add3A_161 = arith.addi %mul3A_2, %mul3A_160 : i32
      %dma_start3A_162 = arith.constant 0 : i32
      %dma_start3A_163 = tpu.memref_slice %arg4[%add3A_161, %dma_start3A_162] : memref<16384x2048xf32, #tpu.memory_space<hbm>> -> memref<8x2048xf32, #tpu.memory_space<hbm>>
      %dma_start3A_164 = arith.constant 0 : i32
      %dma_start3A_165 = tpu.memref_slice %arg4[%add3A_161, %dma_start3A_164] : memref<16384x2048xf32, #tpu.memory_space<hbm>> -> memref<8x2048xf32, #tpu.memory_space<hbm>>
      tpu.enqueue_dma source(%arg8 : memref<8x2048xf32, #tpu.memory_space<vmem>>) target(%dma_start3A_165 : memref<8x2048xf32, #tpu.memory_space<hbm>>) target_semaphore(%arg18 : memref<!tpu.dma_semaphore, #tpu.memory_space<semaphore_mem>>)
      %add3A_166 = arith.constant 1 : i32
      %add3A_167 = arith.addi %add3A_134, %add3A_166 : i32
      %add3A_168 = arith.constant 3 : i32
      %add3A_169 = arith.addi %add3A_167, %add3A_168 : i32
      %lt3A_170 = arith.constant 64 : i32
      %lt3A_171 = arith.cmpi slt, %add3A_169, %lt3A_170 : i32
      %add3A_172 = arith.constant 3 : i32
      %add3A_173 = arith.addi %add3A_167, %add3A_172 : i32
      %sub3A_174 = arith.constant 5 : i32
      %sub3A_175 = arith.subi %add3A_173, %sub3A_174 : i32
      %mul3A_176 = arith.constant 8 : i32
      %mul3A_177 = arith.muli %sub3A_175, %mul3A_176 : i32
      %add3A_178 = arith.addi %mul3A_2, %mul3A_177 : i32
      %dma_wait3A_179 = arith.constant 0 : i32
      %dma_wait3A_180 = tpu.memref_slice %arg4[%add3A_178, %dma_wait3A_179] : memref<16384x2048xf32, #tpu.memory_space<hbm>> -> memref<8x2048xf32, #tpu.memory_space<hbm>>
      %dma_wait3A_181 = arith.constant 0 : i32
      %dma_wait3A_182 = tpu.memref_slice %arg4[%add3A_178, %dma_wait3A_181] : memref<16384x2048xf32, #tpu.memory_space<hbm>> -> memref<8x2048xf32, #tpu.memory_space<hbm>>
      tpu.wait_dma2 semaphore(%arg17 : memref<!tpu.dma_semaphore, #tpu.memory_space<semaphore_mem>>) src(%arg7 : memref<8x2048xf32, #tpu.memory_space<vmem>>) dst(%dma_wait3A_182 : memref<8x2048xf32, #tpu.memory_space<hbm>>)
      %convert_element_type3A_183 = arith.extui %lt3A_171 : i1 to i32
      %cond3A_184 = arith.constant 0 : i32
      %cond3A_185 = arith.cmpi ne, %convert_element_type3A_183, %cond3A_184 : i32
      scf.if %cond3A_185 {
        %add3A_298 = arith.constant 3 : i32
        %add3A_299 = arith.addi %add3A_167, %add3A_298 : i32
        %mul3A_300 = arith.constant 8 : i32
        %mul3A_301 = arith.muli %add3A_299, %mul3A_300 : i32
        %dma_start3A_302 = tpu.memref_slice %arg5[%mul3A_301] : memref<512xi32, #tpu.memory_space<vmem>> -> memref<8xi32, #tpu.memory_space<vmem>>
        %dma_start3A_303 = arith.constant 0 : i32
        %dma_start3A_304 = arith.constant 0 : i32
        %dma_start3A_305 = tpu.memref_slice %arg2[%dma_start3A_303, %dma_start3A_304] : memref<8192x2048xf32, #tpu.memory_space<hbm>> -> memref<8192x2048xf32, #tpu.memory_space<hbm>>
        tpu.enqueue_indirect_dma source(%dma_start3A_305 : memref<8192x2048xf32, #tpu.memory_space<hbm>>) target(%arg7 : memref<8x2048xf32, #tpu.memory_space<vmem>>) offsets(%dma_start3A_302 : memref<8xi32, #tpu.memory_space<vmem>>) semaphore(%arg12 : memref<!tpu.dma_semaphore, #tpu.memory_space<semaphore_mem>>)
      } else {
      }
      %mul3A_186 = arith.constant 8 : i32
      %mul3A_187 = arith.muli %add3A_167, %mul3A_186 : i32
      %dma_wait3A_188 = tpu.memref_slice %arg5[%mul3A_187] : memref<512xi32, #tpu.memory_space<vmem>> -> memref<8xi32, #tpu.memory_space<vmem>>
      %dma_wait3A_189 = arith.constant 0 : i32
      %dma_wait3A_190 = arith.constant 0 : i32
      %dma_wait3A_191 = tpu.memref_slice %arg2[%dma_wait3A_189, %dma_wait3A_190] : memref<8192x2048xf32, #tpu.memory_space<hbm>> -> memref<8192x2048xf32, #tpu.memory_space<hbm>>
      tpu.wait_indirect_dma semaphore(%arg14 : memref<!tpu.dma_semaphore, #tpu.memory_space<semaphore_mem>>) src(%dma_wait3A_191 : memref<8192x2048xf32, #tpu.memory_space<hbm>>) dst(%arg9 : memref<8x2048xf32, #tpu.memory_space<vmem>>)
      %mul3A_192 = arith.constant 8 : i32
      %mul3A_193 = arith.muli %add3A_167, %mul3A_192 : i32
      %add3A_194 = arith.addi %mul3A_2, %mul3A_193 : i32
      %dma_start3A_195 = arith.constant 0 : i32
      %dma_start3A_196 = tpu.memref_slice %arg4[%add3A_194, %dma_start3A_195] : memref<16384x2048xf32, #tpu.memory_space<hbm>> -> memref<8x2048xf32, #tpu.memory_space<hbm>>
      %dma_start3A_197 = arith.constant 0 : i32
      %dma_start3A_198 = tpu.memref_slice %arg4[%add3A_194, %dma_start3A_197] : memref<16384x2048xf32, #tpu.memory_space<hbm>> -> memref<8x2048xf32, #tpu.memory_space<hbm>>
      tpu.enqueue_dma source(%arg9 : memref<8x2048xf32, #tpu.memory_space<vmem>>) target(%dma_start3A_198 : memref<8x2048xf32, #tpu.memory_space<hbm>>) target_semaphore(%arg19 : memref<!tpu.dma_semaphore, #tpu.memory_space<semaphore_mem>>)
      %add3A_199 = arith.constant 2 : i32
      %add3A_200 = arith.addi %add3A_134, %add3A_199 : i32
      %add3A_201 = arith.constant 3 : i32
      %add3A_202 = arith.addi %add3A_200, %add3A_201 : i32
      %lt3A_203 = arith.constant 64 : i32
      %lt3A_204 = arith.cmpi slt, %add3A_202, %lt3A_203 : i32
      %add3A_205 = arith.constant 3 : i32
      %add3A_206 = arith.addi %add3A_200, %add3A_205 : i32
      %sub3A_207 = arith.constant 5 : i32
      %sub3A_208 = arith.subi %add3A_206, %sub3A_207 : i32
      %mul3A_209 = arith.constant 8 : i32
      %mul3A_210 = arith.muli %sub3A_208, %mul3A_209 : i32
      %add3A_211 = arith.addi %mul3A_2, %mul3A_210 : i32
      %dma_wait3A_212 = arith.constant 0 : i32
      %dma_wait3A_213 = tpu.memref_slice %arg4[%add3A_211, %dma_wait3A_212] : memref<16384x2048xf32, #tpu.memory_space<hbm>> -> memref<8x2048xf32, #tpu.memory_space<hbm>>
      %dma_wait3A_214 = arith.constant 0 : i32
      %dma_wait3A_215 = tpu.memref_slice %arg4[%add3A_211, %dma_wait3A_214] : memref<16384x2048xf32, #tpu.memory_space<hbm>> -> memref<8x2048xf32, #tpu.memory_space<hbm>>
      tpu.wait_dma2 semaphore(%arg18 : memref<!tpu.dma_semaphore, #tpu.memory_space<semaphore_mem>>) src(%arg8 : memref<8x2048xf32, #tpu.memory_space<vmem>>) dst(%dma_wait3A_215 : memref<8x2048xf32, #tpu.memory_space<hbm>>)
      %convert_element_type3A_216 = arith.extui %lt3A_204 : i1 to i32
      %cond3A_217 = arith.constant 0 : i32
      %cond3A_218 = arith.cmpi ne, %convert_element_type3A_216, %cond3A_217 : i32
      scf.if %cond3A_218 {
        %add3A_298 = arith.constant 3 : i32
        %add3A_299 = arith.addi %add3A_200, %add3A_298 : i32
        %mul3A_300 = arith.constant 8 : i32
        %mul3A_301 = arith.muli %add3A_299, %mul3A_300 : i32
        %dma_start3A_302 = tpu.memref_slice %arg5[%mul3A_301] : memref<512xi32, #tpu.memory_space<vmem>> -> memref<8xi32, #tpu.memory_space<vmem>>
        %dma_start3A_303 = arith.constant 0 : i32
        %dma_start3A_304 = arith.constant 0 : i32
        %dma_start3A_305 = tpu.memref_slice %arg2[%dma_start3A_303, %dma_start3A_304] : memref<8192x2048xf32, #tpu.memory_space<hbm>> -> memref<8192x2048xf32, #tpu.memory_space<hbm>>
        tpu.enqueue_indirect_dma source(%dma_start3A_305 : memref<8192x2048xf32, #tpu.memory_space<hbm>>) target(%arg8 : memref<8x2048xf32, #tpu.memory_space<vmem>>) offsets(%dma_start3A_302 : memref<8xi32, #tpu.memory_space<vmem>>) semaphore(%arg13 : memref<!tpu.dma_semaphore, #tpu.memory_space<semaphore_mem>>)
      } else {
      }
      %mul3A_219 = arith.constant 8 : i32
      %mul3A_220 = arith.muli %add3A_200, %mul3A_219 : i32
      %dma_wait3A_221 = tpu.memref_slice %arg5[%mul3A_220] : memref<512xi32, #tpu.memory_space<vmem>> -> memref<8xi32, #tpu.memory_space<vmem>>
      %dma_wait3A_222 = arith.constant 0 : i32
      %dma_wait3A_223 = arith.constant 0 : i32
      %dma_wait3A_224 = tpu.memref_slice %arg2[%dma_wait3A_222, %dma_wait3A_223] : memref<8192x2048xf32, #tpu.memory_space<hbm>> -> memref<8192x2048xf32, #tpu.memory_space<hbm>>
      tpu.wait_indirect_dma semaphore(%arg15 : memref<!tpu.dma_semaphore, #tpu.memory_space<semaphore_mem>>) src(%dma_wait3A_224 : memref<8192x2048xf32, #tpu.memory_space<hbm>>) dst(%arg10 : memref<8x2048xf32, #tpu.memory_space<vmem>>)
      %mul3A_225 = arith.constant 8 : i32
      %mul3A_226 = arith.muli %add3A_200, %mul3A_225 : i32
      %add3A_227 = arith.addi %mul3A_2, %mul3A_226 : i32
      %dma_start3A_228 = arith.constant 0 : i32
      %dma_start3A_229 = tpu.memref_slice %arg4[%add3A_227, %dma_start3A_228] : memref<16384x2048xf32, #tpu.memory_space<hbm>> -> memref<8x2048xf32, #tpu.memory_space<hbm>>
      %dma_start3A_230 = arith.constant 0 : i32
      %dma_start3A_231 = tpu.memref_slice %arg4[%add3A_227, %dma_start3A_230] : memref<16384x2048xf32, #tpu.memory_space<hbm>> -> memref<8x2048xf32, #tpu.memory_space<hbm>>
      tpu.enqueue_dma source(%arg10 : memref<8x2048xf32, #tpu.memory_space<vmem>>) target(%dma_start3A_231 : memref<8x2048xf32, #tpu.memory_space<hbm>>) target_semaphore(%arg20 : memref<!tpu.dma_semaphore, #tpu.memory_space<semaphore_mem>>)
      %add3A_232 = arith.constant 3 : i32
      %add3A_233 = arith.addi %add3A_134, %add3A_232 : i32
      %add3A_234 = arith.constant 3 : i32
      %add3A_235 = arith.addi %add3A_233, %add3A_234 : i32
      %lt3A_236 = arith.constant 64 : i32
      %lt3A_237 = arith.cmpi slt, %add3A_235, %lt3A_236 : i32
      %add3A_238 = arith.constant 3 : i32
      %add3A_239 = arith.addi %add3A_233, %add3A_238 : i32
      %sub3A_240 = arith.constant 5 : i32
      %sub3A_241 = arith.subi %add3A_239, %sub3A_240 : i32
      %mul3A_242 = arith.constant 8 : i32
      %mul3A_243 = arith.muli %sub3A_241, %mul3A_242 : i32
      %add3A_244 = arith.addi %mul3A_2, %mul3A_243 : i32
      %dma_wait3A_245 = arith.constant 0 : i32
      %dma_wait3A_246 = tpu.memref_slice %arg4[%add3A_244, %dma_wait3A_245] : memref<16384x2048xf32, #tpu.memory_space<hbm>> -> memref<8x2048xf32, #tpu.memory_space<hbm>>
      %dma_wait3A_247 = arith.constant 0 : i32
      %dma_wait3A_248 = tpu.memref_slice %arg4[%add3A_244, %dma_wait3A_247] : memref<16384x2048xf32, #tpu.memory_space<hbm>> -> memref<8x2048xf32, #tpu.memory_space<hbm>>
      tpu.wait_dma2 semaphore(%arg19 : memref<!tpu.dma_semaphore, #tpu.memory_space<semaphore_mem>>) src(%arg9 : memref<8x2048xf32, #tpu.memory_space<vmem>>) dst(%dma_wait3A_248 : memref<8x2048xf32, #tpu.memory_space<hbm>>)
      %convert_element_type3A_249 = arith.extui %lt3A_237 : i1 to i32
      %cond3A_250 = arith.constant 0 : i32
      %cond3A_251 = arith.cmpi ne, %convert_element_type3A_249, %cond3A_250 : i32
      scf.if %cond3A_251 {
        %add3A_298 = arith.constant 3 : i32
        %add3A_299 = arith.addi %add3A_233, %add3A_298 : i32
        %mul3A_300 = arith.constant 8 : i32
        %mul3A_301 = arith.muli %add3A_299, %mul3A_300 : i32
        %dma_start3A_302 = tpu.memref_slice %arg5[%mul3A_301] : memref<512xi32, #tpu.memory_space<vmem>> -> memref<8xi32, #tpu.memory_space<vmem>>
        %dma_start3A_303 = arith.constant 0 : i32
        %dma_start3A_304 = arith.constant 0 : i32
        %dma_start3A_305 = tpu.memref_slice %arg2[%dma_start3A_303, %dma_start3A_304] : memref<8192x2048xf32, #tpu.memory_space<hbm>> -> memref<8192x2048xf32, #tpu.memory_space<hbm>>
        tpu.enqueue_indirect_dma source(%dma_start3A_305 : memref<8192x2048xf32, #tpu.memory_space<hbm>>) target(%arg9 : memref<8x2048xf32, #tpu.memory_space<vmem>>) offsets(%dma_start3A_302 : memref<8xi32, #tpu.memory_space<vmem>>) semaphore(%arg14 : memref<!tpu.dma_semaphore, #tpu.memory_space<semaphore_mem>>)
      } else {
      }
      %mul3A_252 = arith.constant 8 : i32
      %mul3A_253 = arith.muli %add3A_233, %mul3A_252 : i32
      %dma_wait3A_254 = tpu.memref_slice %arg5[%mul3A_253] : memref<512xi32, #tpu.memory_space<vmem>> -> memref<8xi32, #tpu.memory_space<vmem>>
      %dma_wait3A_255 = arith.constant 0 : i32
      %dma_wait3A_256 = arith.constant 0 : i32
      %dma_wait3A_257 = tpu.memref_slice %arg2[%dma_wait3A_255, %dma_wait3A_256] : memref<8192x2048xf32, #tpu.memory_space<hbm>> -> memref<8192x2048xf32, #tpu.memory_space<hbm>>
      tpu.wait_indirect_dma semaphore(%arg11 : memref<!tpu.dma_semaphore, #tpu.memory_space<semaphore_mem>>) src(%dma_wait3A_257 : memref<8192x2048xf32, #tpu.memory_space<hbm>>) dst(%arg6 : memref<8x2048xf32, #tpu.memory_space<vmem>>)
      %mul3A_258 = arith.constant 8 : i32
      %mul3A_259 = arith.muli %add3A_233, %mul3A_258 : i32
      %add3A_260 = arith.addi %mul3A_2, %mul3A_259 : i32
      %dma_start3A_261 = arith.constant 0 : i32
      %dma_start3A_262 = tpu.memref_slice %arg4[%add3A_260, %dma_start3A_261] : memref<16384x2048xf32, #tpu.memory_space<hbm>> -> memref<8x2048xf32, #tpu.memory_space<hbm>>
      %dma_start3A_263 = arith.constant 0 : i32
      %dma_start3A_264 = tpu.memref_slice %arg4[%add3A_260, %dma_start3A_263] : memref<16384x2048xf32, #tpu.memory_space<hbm>> -> memref<8x2048xf32, #tpu.memory_space<hbm>>
      tpu.enqueue_dma source(%arg6 : memref<8x2048xf32, #tpu.memory_space<vmem>>) target(%dma_start3A_264 : memref<8x2048xf32, #tpu.memory_space<hbm>>) target_semaphore(%arg16 : memref<!tpu.dma_semaphore, #tpu.memory_space<semaphore_mem>>)
      %add3A_265 = arith.constant 4 : i32
      %add3A_266 = arith.addi %add3A_134, %add3A_265 : i32
      %add3A_267 = arith.constant 3 : i32
      %add3A_268 = arith.addi %add3A_266, %add3A_267 : i32
      %lt3A_269 = arith.constant 64 : i32
      %lt3A_270 = arith.cmpi slt, %add3A_268, %lt3A_269 : i32
      %add3A_271 = arith.constant 3 : i32
      %add3A_272 = arith.addi %add3A_266, %add3A_271 : i32
      %sub3A_273 = arith.constant 5 : i32
      %sub3A_274 = arith.subi %add3A_272, %sub3A_273 : i32
      %mul3A_275 = arith.constant 8 : i32
      %mul3A_276 = arith.muli %sub3A_274, %mul3A_275 : i32
      %add3A_277 = arith.addi %mul3A_2, %mul3A_276 : i32
      %dma_wait3A_278 = arith.constant 0 : i32
      %dma_wait3A_279 = tpu.memref_slice %arg4[%add3A_277, %dma_wait3A_278] : memref<16384x2048xf32, #tpu.memory_space<hbm>> -> memref<8x2048xf32, #tpu.memory_space<hbm>>
      %dma_wait3A_280 = arith.constant 0 : i32
      %dma_wait3A_281 = tpu.memref_slice %arg4[%add3A_277, %dma_wait3A_280] : memref<16384x2048xf32, #tpu.memory_space<hbm>> -> memref<8x2048xf32, #tpu.memory_space<hbm>>
      tpu.wait_dma2 semaphore(%arg20 : memref<!tpu.dma_semaphore, #tpu.memory_space<semaphore_mem>>) src(%arg10 : memref<8x2048xf32, #tpu.memory_space<vmem>>) dst(%dma_wait3A_281 : memref<8x2048xf32, #tpu.memory_space<hbm>>)
      %convert_element_type3A_282 = arith.extui %lt3A_270 : i1 to i32
      %cond3A_283 = arith.constant 0 : i32
      %cond3A_284 = arith.cmpi ne, %convert_element_type3A_282, %cond3A_283 : i32
      scf.if %cond3A_284 {
        %add3A_298 = arith.constant 3 : i32
        %add3A_299 = arith.addi %add3A_266, %add3A_298 : i32
        %mul3A_300 = arith.constant 8 : i32
        %mul3A_301 = arith.muli %add3A_299, %mul3A_300 : i32
        %dma_start3A_302 = tpu.memref_slice %arg5[%mul3A_301] : memref<512xi32, #tpu.memory_space<vmem>> -> memref<8xi32, #tpu.memory_space<vmem>>
        %dma_start3A_303 = arith.constant 0 : i32
        %dma_start3A_304 = arith.constant 0 : i32
        %dma_start3A_305 = tpu.memref_slice %arg2[%dma_start3A_303, %dma_start3A_304] : memref<8192x2048xf32, #tpu.memory_space<hbm>> -> memref<8192x2048xf32, #tpu.memory_space<hbm>>
        tpu.enqueue_indirect_dma source(%dma_start3A_305 : memref<8192x2048xf32, #tpu.memory_space<hbm>>) target(%arg10 : memref<8x2048xf32, #tpu.memory_space<vmem>>) offsets(%dma_start3A_302 : memref<8xi32, #tpu.memory_space<vmem>>) semaphore(%arg15 : memref<!tpu.dma_semaphore, #tpu.memory_space<semaphore_mem>>)
      } else {
      }
      %mul3A_285 = arith.constant 8 : i32
      %mul3A_286 = arith.muli %add3A_266, %mul3A_285 : i32
      %dma_wait3A_287 = tpu.memref_slice %arg5[%mul3A_286] : memref<512xi32, #tpu.memory_space<vmem>> -> memref<8xi32, #tpu.memory_space<vmem>>
      %dma_wait3A_288 = arith.constant 0 : i32
      %dma_wait3A_289 = arith.constant 0 : i32
      %dma_wait3A_290 = tpu.memref_slice %arg2[%dma_wait3A_288, %dma_wait3A_289] : memref<8192x2048xf32, #tpu.memory_space<hbm>> -> memref<8192x2048xf32, #tpu.memory_space<hbm>>
      tpu.wait_indirect_dma semaphore(%arg12 : memref<!tpu.dma_semaphore, #tpu.memory_space<semaphore_mem>>) src(%dma_wait3A_290 : memref<8192x2048xf32, #tpu.memory_space<hbm>>) dst(%arg7 : memref<8x2048xf32, #tpu.memory_space<vmem>>)
      %mul3A_291 = arith.constant 8 : i32
      %mul3A_292 = arith.muli %add3A_266, %mul3A_291 : i32
      %add3A_293 = arith.addi %mul3A_2, %mul3A_292 : i32
      %dma_start3A_294 = arith.constant 0 : i32
      %dma_start3A_295 = tpu.memref_slice %arg4[%add3A_293, %dma_start3A_294] : memref<16384x2048xf32, #tpu.memory_space<hbm>> -> memref<8x2048xf32, #tpu.memory_space<hbm>>
      %dma_start3A_296 = arith.constant 0 : i32
      %dma_start3A_297 = tpu.memref_slice %arg4[%add3A_293, %dma_start3A_296] : memref<16384x2048xf32, #tpu.memory_space<hbm>> -> memref<8x2048xf32, #tpu.memory_space<hbm>>
      tpu.enqueue_dma source(%arg7 : memref<8x2048xf32, #tpu.memory_space<vmem>>) target(%dma_start3A_297 : memref<8x2048xf32, #tpu.memory_space<hbm>>) target_semaphore(%arg17 : memref<!tpu.dma_semaphore, #tpu.memory_space<semaphore_mem>>)
    }
    %scan3A_83 = arith.constant 12 : i32
    %add3A_84 = arith.constant 480 : i32
    %add3A_85 = arith.addi %mul3A_2, %add3A_84 : i32
    %dma_wait3A_86 = arith.constant 0 : i32
    %dma_wait3A_87 = tpu.memref_slice %arg4[%add3A_85, %dma_wait3A_86] : memref<16384x2048xf32, #tpu.memory_space<hbm>> -> memref<8x2048xf32, #tpu.memory_space<hbm>>
    %dma_wait3A_88 = arith.constant 0 : i32
    %dma_wait3A_89 = tpu.memref_slice %arg4[%add3A_85, %dma_wait3A_88] : memref<16384x2048xf32, #tpu.memory_space<hbm>> -> memref<8x2048xf32, #tpu.memory_space<hbm>>
    tpu.wait_dma2 semaphore(%arg16 : memref<!tpu.dma_semaphore, #tpu.memory_space<semaphore_mem>>) src(%arg6 : memref<8x2048xf32, #tpu.memory_space<vmem>>) dst(%dma_wait3A_89 : memref<8x2048xf32, #tpu.memory_space<hbm>>)
    %dma_wait3A_90 = arith.constant 496 : i32
    %dma_wait3A_91 = tpu.memref_slice %arg5[%dma_wait3A_90] : memref<512xi32, #tpu.memory_space<vmem>> -> memref<8xi32, #tpu.memory_space<vmem>>
    %dma_wait3A_92 = arith.constant 0 : i32
    %dma_wait3A_93 = arith.constant 0 : i32
    %dma_wait3A_94 = tpu.memref_slice %arg2[%dma_wait3A_92, %dma_wait3A_93] : memref<8192x2048xf32, #tpu.memory_space<hbm>> -> memref<8192x2048xf32, #tpu.memory_space<hbm>>
    tpu.wait_indirect_dma semaphore(%arg13 : memref<!tpu.dma_semaphore, #tpu.memory_space<semaphore_mem>>) src(%dma_wait3A_94 : memref<8192x2048xf32, #tpu.memory_space<hbm>>) dst(%arg8 : memref<8x2048xf32, #tpu.memory_space<vmem>>)
    %add3A_95 = arith.constant 496 : i32
    %add3A_96 = arith.addi %mul3A_2, %add3A_95 : i32
    %dma_start3A_97 = arith.constant 0 : i32
    %dma_start3A_98 = tpu.memref_slice %arg4[%add3A_96, %dma_start3A_97] : memref<16384x2048xf32, #tpu.memory_space<hbm>> -> memref<8x2048xf32, #tpu.memory_space<hbm>>
    %dma_start3A_99 = arith.constant 0 : i32
    %dma_start3A_100 = tpu.memref_slice %arg4[%add3A_96, %dma_start3A_99] : memref<16384x2048xf32, #tpu.memory_space<hbm>> -> memref<8x2048xf32, #tpu.memory_space<hbm>>
    tpu.enqueue_dma source(%arg8 : memref<8x2048xf32, #tpu.memory_space<vmem>>) target(%dma_start3A_100 : memref<8x2048xf32, #tpu.memory_space<hbm>>) target_semaphore(%arg18 : memref<!tpu.dma_semaphore, #tpu.memory_space<semaphore_mem>>)
    %add3A_101 = arith.constant 488 : i32
    %add3A_102 = arith.addi %mul3A_2, %add3A_101 : i32
    %dma_wait3A_103 = arith.constant 0 : i32
    %dma_wait3A_104 = tpu.memref_slice %arg4[%add3A_102, %dma_wait3A_103] : memref<16384x2048xf32, #tpu.memory_space<hbm>> -> memref<8x2048xf32, #tpu.memory_space<hbm>>
    %dma_wait3A_105 = arith.constant 0 : i32
    %dma_wait3A_106 = tpu.memref_slice %arg4[%add3A_102, %dma_wait3A_105] : memref<16384x2048xf32, #tpu.memory_space<hbm>> -> memref<8x2048xf32, #tpu.memory_space<hbm>>
    tpu.wait_dma2 semaphore(%arg17 : memref<!tpu.dma_semaphore, #tpu.memory_space<semaphore_mem>>) src(%arg7 : memref<8x2048xf32, #tpu.memory_space<vmem>>) dst(%dma_wait3A_106 : memref<8x2048xf32, #tpu.memory_space<hbm>>)
    %dma_wait3A_107 = arith.constant 504 : i32
    %dma_wait3A_108 = tpu.memref_slice %arg5[%dma_wait3A_107] : memref<512xi32, #tpu.memory_space<vmem>> -> memref<8xi32, #tpu.memory_space<vmem>>
    %dma_wait3A_109 = arith.constant 0 : i32
    %dma_wait3A_110 = arith.constant 0 : i32
    %dma_wait3A_111 = tpu.memref_slice %arg2[%dma_wait3A_109, %dma_wait3A_110] : memref<8192x2048xf32, #tpu.memory_space<hbm>> -> memref<8192x2048xf32, #tpu.memory_space<hbm>>
    tpu.wait_indirect_dma semaphore(%arg14 : memref<!tpu.dma_semaphore, #tpu.memory_space<semaphore_mem>>) src(%dma_wait3A_111 : memref<8192x2048xf32, #tpu.memory_space<hbm>>) dst(%arg9 : memref<8x2048xf32, #tpu.memory_space<vmem>>)
    %add3A_112 = arith.constant 504 : i32
    %add3A_113 = arith.addi %mul3A_2, %add3A_112 : i32
    %dma_start3A_114 = arith.constant 0 : i32
    %dma_start3A_115 = tpu.memref_slice %arg4[%add3A_113, %dma_start3A_114] : memref<16384x2048xf32, #tpu.memory_space<hbm>> -> memref<8x2048xf32, #tpu.memory_space<hbm>>
    %dma_start3A_116 = arith.constant 0 : i32
    %dma_start3A_117 = tpu.memref_slice %arg4[%add3A_113, %dma_start3A_116] : memref<16384x2048xf32, #tpu.memory_space<hbm>> -> memref<8x2048xf32, #tpu.memory_space<hbm>>
    tpu.enqueue_dma source(%arg9 : memref<8x2048xf32, #tpu.memory_space<vmem>>) target(%dma_start3A_117 : memref<8x2048xf32, #tpu.memory_space<hbm>>) target_semaphore(%arg19 : memref<!tpu.dma_semaphore, #tpu.memory_space<semaphore_mem>>)
    %add3A_118 = arith.constant 496 : i32
    %add3A_119 = arith.addi %mul3A_2, %add3A_118 : i32
    %dma_wait3A_120 = arith.constant 0 : i32
    %dma_wait3A_121 = tpu.memref_slice %arg4[%add3A_119, %dma_wait3A_120] : memref<16384x2048xf32, #tpu.memory_space<hbm>> -> memref<8x2048xf32, #tpu.memory_space<hbm>>
    %dma_wait3A_122 = arith.constant 0 : i32
    %dma_wait3A_123 = tpu.memref_slice %arg4[%add3A_119, %dma_wait3A_122] : memref<16384x2048xf32, #tpu.memory_space<hbm>> -> memref<8x2048xf32, #tpu.memory_space<hbm>>
    tpu.wait_dma2 semaphore(%arg18 : memref<!tpu.dma_semaphore, #tpu.memory_space<semaphore_mem>>) src(%arg8 : memref<8x2048xf32, #tpu.memory_space<vmem>>) dst(%dma_wait3A_123 : memref<8x2048xf32, #tpu.memory_space<hbm>>)
    %add3A_124 = arith.constant 504 : i32
    %add3A_125 = arith.addi %mul3A_2, %add3A_124 : i32
    %dma_wait3A_126 = arith.constant 0 : i32
    %dma_wait3A_127 = tpu.memref_slice %arg4[%add3A_125, %dma_wait3A_126] : memref<16384x2048xf32, #tpu.memory_space<hbm>> -> memref<8x2048xf32, #tpu.memory_space<hbm>>
    %dma_wait3A_128 = arith.constant 0 : i32
    %dma_wait3A_129 = tpu.memref_slice %arg4[%add3A_125, %dma_wait3A_128] : memref<16384x2048xf32, #tpu.memory_space<hbm>> -> memref<8x2048xf32, #tpu.memory_space<hbm>>
    tpu.wait_dma2 semaphore(%arg19 : memref<!tpu.dma_semaphore, #tpu.memory_space<semaphore_mem>>) src(%arg9 : memref<8x2048xf32, #tpu.memory_space<vmem>>) dst(%dma_wait3A_129 : memref<8x2048xf32, #tpu.memory_space<hbm>>)
    return
  }
}

</mosaic_0001>

<sc_bundles>
// kernel: _sc_gather.3.cloned.1.call-start
scs
__scs_entry_jumppad:
0x0: {  	(pc) =	sbr.rel $0x88, $3  }
0x1: {  	(tag) =	ssettag $0x0;
	lr =	simm.s32 $0x1  }
0x2: {  	[smem:$0x3F9F] =	sst lr;
	_ =	strace $0xD0000000  }
0x3: {  	_ = 	snop  }
0x4: {  	_ = 	snop  }
0x5: {  	_ = 	snop  }
0x6: {  	_ = 	snop  }
0x7: {  	_ = 	snop  }
__scs_overlays_trampoline_lowered:
0x8: {  	[smem:$0x3FAE] =	sst s0  }
0x9: {  	[smem:$0x3FAF] =	sst s1  }
0xa: {  	[smem:$0x3FB0] =	sst s2  }
0xb: {  	[smem:$0x3FB1] =	sst s3  }
0xc: {  	[smem:$0x3FB2] =	sst s4  }
0xd: {  	[smem:$0x3FB3] =	sst s5  }
0xe: {  	[smem:$0x3FB4] =	sst s6  }
0xf: {  	[smem:$0x3FB5] =	sst s7  }
0x10: {  	[smem:$0x3FB6] =	sst s8  }
0x11: {  	[smem:$0x3FB7] =	sst s9;
	s0 =	simm.s32 @!p0 $0x0  }
0x12: {  	s1 =	sld [smem:$0x3F9D];
	s0 =	simm.s32 @p0 $0x1  }
0x13: {  	[smem:$0x3FB8] =	sst s0;
	s0 =	simm.s32 @!p1 $0x0  }
0x14: {  	s2 =	sld [smem:$0x3F9C];
	s0 =	simm.s32 @p1 $0x1  }
0x15: {  	[smem:$0x3FB9] =	sst s0;
	s0 =	simm.s32 @!p2 $0x0  }
0x16: {  	s3 =	sld [smem:$0x3FDB];
	s0 =	simm.s32 @p2 $0x1  }
0x17: {  	s4 =	simm.s32 $0x1BF5;
	[smem:$0x3FBB] =	sst s0  }
0x18: {  	s0 =	sld [smem:$0x3F9E];
	_ =	swait.ge [sflag:s4], $0x0  }
0x19: {  	s7 =	sld [smem:$0x3F9F]  }
0x1a: {  	s8 =	sadd.s32 $0xFFFFE003, lr  }
0x1b: {  	s9 =	sadd.s32 $0xFFFFFEF7, lr;
	s5 =	simm.s32 $0xFFFFFFFF;
	p2 =	slt.u32 s8, $0xFFFFF086  }
0x1c: {  	p1 =	slt.u32 s9, $0xF7A;
	s5 =	simm.s32 @!p2 $0x0  }
0x1d: {  	s5 =	simm.s32 @p1 $0x1;
	p0 =	seq.s32 s7, s2  }
0x1e: {  	s7 =	smul.u32 @!p0 $0xF7A, s2;
	p2 =	seq.s32 @!p0 s5, $0x0  }
0x1f: {  	s9 =	smul.u32 $0xF7A, s1;
	s8 =	simm.s32 @!p0 $0x1BF5;
	p2 =	por !p2, p0  }
0x20: {  	[sflag:s8] =	ssyncset.s32 @!p0 $0xFFFFF086;
	s6 =	sadd.s32 @!p0 s3, s7;
	s7 =	simm.s32 @!p0 $0x108  }
0x21: {  	s3 =	sadd.s32 s3, s9;
	s6 =	sadd.s32 @!p0 $0x88, s6;
	s7 =	simm.s32 @p2 $0x1082  }
0x22: {  	[simem:s7], [sflag:s8] =	dma.local @!p0 [hbm:s6], $0xF7A  }
0x23: {  	s9 =	sor.u32 $0xD0000000, s2;
	s6 =	simm.s32 $0x108;
	_ =	swait.ge @!p0 [sflag:s8], $0x0  }
0x24: {  	s3 =	sadd.s32 $0x88, s3;
	s6 =	simm.s32 @!p1 $0x1082;
	[sflag:s4] =	ssyncset.s32 $0xFFFFF086  }
0x25: {  	[simem:s6], [sflag:s4] =	dma.local [hbm:s3], $0xF7A  }
0x26: {  	[smem:$0x3F9F] =	sst s1;
	(tag) =	ssettag s2;
	_ =	strace s9  }
0x27: {  	s1 =	sld [smem:$0x3FAF]  }
0x28: {  	s2 =	sld [smem:$0x3FB0]  }
0x29: {  	s4 =	sld [smem:$0x3FB2]  }
0x2a: {  	p0 =	seq.s32 s5, $0x0;
	s5 =	sld [smem:$0x3FB3]  }
0x2b: {  	s6 =	sld [smem:$0x3FB4]  }
0x2c: {  	s7 =	sld [smem:$0x3FB5]  }
0x2d: {  	s3 =	simm.s32 $0x108;
	s8 =	sld [smem:$0x3FB6]  }
0x2e: {  	s3 =	simm.s32 @!p0 $0x1082;
	s9 =	sld [smem:$0x3FB7]  }
0x2f: {  	lr =	sadd.s32 s0, s3;
	s0 =	sld [smem:$0x3FAE]  }
0x30: {  	s3 =	sld [smem:$0x3FB1]  }
0x31: {  	[smem:$0x3FBA] =	sst s10  }
0x32: {  	s10 =	sld [smem:$0x3FB8];
	_ =	sdelay $0x3  }
0x33: {  	p0 =	seq.s32 s10, $0x1;
	s10 =	sld [smem:$0x3FBA];
	_ =	sdelay $0x3  }
0x34: {  	[smem:$0x3FBA] =	sst s10  }
0x35: {  	s10 =	sld [smem:$0x3FB9];
	_ =	sdelay $0x3  }
0x36: {  	p1 =	seq.s32 s10, $0x1;
	s10 =	sld [smem:$0x3FBA];
	_ =	sdelay $0x3  }
0x37: {  	[smem:$0x3FBA] =	sst s10  }
0x38: {  	s10 =	sld [smem:$0x3FBB]  }
0x39: {  	_ = 	snop;
	(pc) =	sbr.ind lr, $3  }
0x3a: {  	_ = 	snop  }
0x3b: {  	_ = 	snop  }
0x3c: {  	p2 =	seq.s32 s10, $0x1;
	s10 =	sld [smem:$0x3FBA]  }
0x3d: {  	_ =	shalt  }
0x3e: {  	_ =	shalt  }
0x3f: {  	_ =	shalt  }
0x40: {  	_ =	shalt  }
0x41: {  	_ =	shalt  }
0x42: {  	_ =	shalt  }
0x43: {  	_ =	shalt  }
0x44: {  	_ =	shalt  }
0x45: {  	_ =	shalt  }
0x46: {  	_ =	shalt  }
0x47: {  	_ =	shalt  }
0x48: {  	_ =	shalt  }
0x49: {  	_ =	shalt  }
0x4a: {  	_ =	shalt  }
0x4b: {  	_ =	shalt  }
0x4c: {  	_ =	shalt  }
0x4d: {  	_ =	shalt  }
0x4e: {  	_ =	shalt  }
0x4f: {  	_ =	shalt  }
0x50: {  	_ =	shalt  }
0x51: {  	_ =	shalt  }
0x52: {  	_ =	shalt  }
0x53: {  	_ =	shalt  }
0x54: {  	_ =	shalt  }
0x55: {  	_ =	shalt  }
0x56: {  	_ =	shalt  }
0x57: {  	_ =	shalt  }
0x58: {  	_ =	shalt  }
0x59: {  	_ =	shalt  }
0x5a: {  	_ =	shalt  }
0x5b: {  	_ =	shalt  }
0x5c: {  	_ =	shalt  }
0x5d: {  	_ =	shalt  }
0x5e: {  	_ =	shalt  }
0x5f: {  	_ =	shalt  }
0x60: {  	_ =	shalt  }
0x61: {  	_ =	shalt  }
0x62: {  	_ =	shalt  }
0x63: {  	_ =	shalt  }
0x64: {  	_ =	shalt  }
0x65: {  	_ =	shalt  }
0x66: {  	_ =	shalt  }
0x67: {  	_ =	shalt  }
0x68: {  	_ =	shalt  }
0x69: {  	_ =	shalt  }
0x6a: {  	_ =	shalt  }
0x6b: {  	_ =	shalt  }
0x6c: {  	_ =	shalt  }
0x6d: {  	_ =	shalt  }
0x6e: {  	_ =	shalt  }
0x6f: {  	_ =	shalt  }
0x70: {  	_ =	shalt  }
0x71: {  	_ =	shalt  }
0x72: {  	_ =	shalt  }
0x73: {  	_ =	shalt  }
0x74: {  	_ =	shalt  }
0x75: {  	_ =	shalt  }
0x76: {  	_ =	shalt  }
0x77: {  	_ =	shalt  }
0x78: {  	_ =	shalt  }
0x79: {  	_ =	shalt  }
0x7a: {  	_ =	shalt  }
0x7b: {  	_ =	shalt  }
0x7c: {  	_ =	shalt  }
0x7d: {  	_ =	shalt  }
0x7e: {  	_ =	shalt  }
0x7f: {  	_ =	shalt  }
0x80: {  	_ =	shalt  }
0x81: {  	_ =	shalt  }
0x82: {  	_ =	shalt  }
0x83: {  	_ =	shalt  }
0x84: {  	_ =	shalt  }
0x85: {  	_ =	shalt  }
0x86: {  	_ =	shalt  }
0x87: {  	_ =	shalt  }
.Lfunc_end0:
.L_simem_size_0:
called_computation_lowered:
.L_overlay_start_0:
0x88: {  	s2 =	sld [smem:$0x3FD9]  }
0x89: {  	s3 =	sld [smem:$0x3FFE];
	_ =	sdelay $0x1  }
0x8a: {  	s1 =	srdreg.scid  }
0x8b: {  	s0 =	sand.u32 $0x1, s1  }
0x8c: {  	s18 =	sshll.u32 s0, $0xA;
	s2 =	sadd.s32 s3, s2  }
0x8d: {  	s2 =	sadd.s32 s2, s18  }
0x8e: {  	[smem:$0x3FC6] =	sst s2  }
0x8f: {  	_ = 	snop  }
0x90: {  	s2 =	sld [smem:$0x3FC9]  }
0x91: {  	s19 =	sld [smem:$0x3FC8]  }
0x92: {  	s4 =	sld [smem:$0x3FD0];
	(tm) =	ssettm $0x1  }
0x93: {  	s5 =	sld [smem:$0x3FFB];
	_ =	sdelay $0x3  }
0x94: {  	_ =	strace s5  }
0x95: {  	s5 =	sld [smem:$0x3FFC];
	_ =	sdelay $0x3  }
0x96: {  	_ =	strace s5  }
0x97: {  	s5 =	sld [smem:$0x3FFD];
	_ =	sdelay $0x3  }
0x98: {  	_ =	strace s5  }
0x99: {  	_ =	strace $0x8FFFFFFF  }
0x9a: {  	s20 =	sld [smem:$0x3FDB];
	_ =	sdelay $0x1  }
0x9b: {  	s6 =	simm.s32 $_scs_section_size  }
0x9c: {  	s7 =	simm.s32 $_size__tile_overlayer_lowered;
	s8 =	simm.s32 $_tile_overlayer_lowered  }
0x9d: {  	s23 =	simm.s32 $0x1BFF;
	s22 =	sshll.u32 s8, $0x1;
	s5 =	sadd.s32 s6, s20  }
0x9e: {  	s9 =	simm.s32 $0x0;
	s21 =	sshll.u32 s7, $0x1;
	s7 =	sadd.s32 s22, s5  }
0x9f: {  	[timem:s9], [sflag:s23] =	dma.local [hbm:s7], s21  }
0xa0: {  	_ =	swait.ge [sflag:s23], s21  }
0xa1: {  	s6 =	ssub.s32 $0x0, s21;
	[sflag:s23] =	ssyncset.done $0x0  }
0xa2: {  	[sflag:s23] =	ssyncadd.s32 s6;
	_ =	sdelay $0x1  }
0xa3: {  	s24 =	simm.s32 $0x1B8B  }
0xa4: {  	_ =	swait.ge [sflag:s24], $0x1  }
0xa5: {  	[sflag:s24] =	ssyncset.done $0x0  }
0xa6: {  	s25 =	simm.s32 $0x1B8E;
	[sflag:s24] =	ssyncadd.s32 $0xFFFFFFFF  }
0xa7: {  	s26 =	simm.s32 $execute0_lowered;
	[smem:$0x3FD2] =	sst s25  }
0xa8: {  	s6 =	sshll.u32 s26, $0x1;
	_ =	strace $0x80000046;
	[dreg:$0x1] =	wrdreg $0xFFFFFFFF  }
0xa9: {  	s28 =	simm.s32 $_size_execute0_lowered;
	s5 =	sadd.s32 s5, s6;
	[dreg:$0x0] =	wrdreg $0x0  }
0xaa: {  	s6 =	sshll.u32 s28, $0x1;
	[dreg:$0x2] =	wrdreg s5  }
0xab: {  	[dreg:$0x3] =	wrdreg s6  }
0xac: {  	[dreg:$0x4] =	wrdreg $0xC0  }
0xad: {  	_ =	task [dreg:s9], $0x5FFFF  }
0xae: {  	[dreg:$0x1] =	wrdreg $0xFFFFFFFF  }
0xaf: {  	[dreg:$0x0] =	wrdreg $0x60  }
0xb0: {  	[dreg:$0x2] =	wrdreg s2  }
0xb1: {  	[dreg:$0x3] =	wrdreg s19  }
0xb2: {  	[dreg:$0x4] =	wrdreg s4  }
0xb3: {  	[dreg:$0x5] =	wrdreg $0x9  }
0xb4: {  	_ =	task.clear_ibuf [dreg:s9], $0x6FFFF;
	_ =	strace $0x90000046  }
0xb5: {  	s29 =	simm.s32 $0x9;
	_ =	strace $0x80000048  }
0xb6: {  	_ =	swait.ge [sflag:s29], $0x1  }
0xb7: {  	[sflag:s29] =	ssyncadd.s32 $0xFFFFFFFF  }
0xb8: {  	_ =	strace $0x90000048  }
0xb9: {  	_ =	sfence  }
0xba: {  	s30 =	sld [smem:$0x0];
	_ =	sdelay $0x2  }
0xbb: {  	s31 =	sshll.u32 s1, $0xD;
	s1 =	sshrl.u32 s1, $0x2  }
0xbc: {  	s3 =	sand.u32 $0x4000, s31;
	s1 =	sadd.s32 s1, s30  }
0xbd: {  	s0 =	sor.u32 s3, s0;
	s1 =	sshll.u32 s1, $0x11  }
0xbe: {  	s0 =	sor.u32 s1, s0  }
0xbf: {  	s0 =	sadd.s32 $0x8F2B, s0  }
0xc0: {  	[sflag:s0] =	ssyncadd.remote.s32 $0x1  }
0xc1: {  	_ =	sfence.sel $0xFFFF  }
0xc2: {  	[dreg:$0x0] =	wrdreg $0xFFFFFFFF;
	(pc) =	sbr.abs _section_cstart, $3  }
0xc3: {  	[dreg:$0x1] =	wrdreg $0xFFFFFFFF  }
0xc4: {  	_ =	task.clear_ibuf [dreg:s9], $0x2FFFF;
	_ =	strace $0x9FFFFFFF  }
0xc5: {  	(tm) =	ssettm $0x7FFFFFFF  }
tec
execute0_lowered:
.L_overlay_start_1:
0x0: {  	(tag) =	ssettag $0x1  }
0x1: {  	s1 =	rddreg [dreg:$0x0]  }
0x2: {  	s0 =	rddreg [dreg:$0x1]  }
0x3: {  	s2 =	rddreg [dreg:$0x2]  }
0x4: {  	s3 =	simm.s32 $0x0;
	s4 =	srdreg.scid;
	s14 =	stileid.u32  }
0x5: {  	s28 =	simm.s32 $0xA00;
	s30 =	simm.s32 $0x1200;
	s29 =	simm.s32 $0x4200  }
0x6: {  	s18 =	simm.s32 $0x2;
	s15 =	simm.s32 $0x7;
	s16 =	simm.s32 $0x4  }
0x7: {  	s19 =	simm.s32 $0x5;
	s31 =	simm.s32 $0xF200;
	s17 =	simm.s32 $0x10200  }
0x8: {  	[smem:$0x7FF] =	sst s3;
	s4 =	sand.u32 $0x1, s4;
	s7 =	sshll.u32 s14, $0x7  }
0x9: {  	s9 =	sadd.s32 $0x500, s1;
	s10 =	sadd.s32 $0x600, s1;
	s11 =	sadd.s32 $0x700, s1  }
0xa: {  	s22 =	sshll.u32 s14, $0x11;
	s5 =	ssub.s32 $0x2, s4;
	s6 =	sshll.u32 s4, $0x4  }
0xb: {  	_ =	strace $0x80000047;
	s4 =	sshll.u32 s4, $0x15;
	s8 =	sshrl.u32 s5, $0x1  }
0xc: {  	s7 =	sor.u32 s6, s7;
	s13 =	sor.u32 s14, s6;
	s6 =	sadd.s32 $0x200, s1  }
0xd: {  	s21 =	sadd.s32 s4, s2;
	s4 =	simm.s32 $0x6;
	s14 =	simm.s32 $0x3  }
0xe: {  	s12 =	ssub.s32 s5, s8;
	s0 =	sadd.s32 s0, s7;
	s5 =	sadd.s32 $0x100, s1  }
0xf: {  	s7 =	sadd.s32 $0x300, s1;
	s8 =	sadd.s32 $0x400, s1;
	s20 =	sshll.u32 s13, $0x11  }
0x10: {  	[dreg:$0x5] =	wrdreg s0;
	s13 =	sadd.s32 s2, s20;
	s0 =	sadd.s32 s22, s21  }
0x11: {  	s26 =	smax.u32 s12, $0x1;
	s20 =	simm.s32 $0x200;
	[dreg:$0x6] =	wrdreg s13  }
0x12: {  	s2 =	simm.s32 $0x1;
	s12 =	simm.s32 $0x8;
	[dreg:$0xa] =	wrdreg s26  }
0x13: {  	s21 =	simm.s32 $0x9;
	s23 =	sadd.s32 $0x800, s13;
	[dreg:$0x4] =	wrdreg s0  }
0x14: {  	v0 =	vlaneseq.u32;
	s22 =	simm.s32 $0xA;
	s24 =	sadd.s32 $0x1F000, s13;
	[dreg:$0x7] =	wrdreg s23  }
0x15: {  	v1 =	vshrl.u32 v0, $0x3;
	s25 =	sadd.s32 $0x1F800, s13;
	s13 =	simm.s32 $0x8200;
	[dreg:$0x8] =	wrdreg s24  }
0x16: {  	vm0 =	vmmov $0xffff;
	v0 =	vand.u32 $0x7, v0;
	v1 =	vmul.u32 $0x8, v1;
	s0 =	simm.s32 $0x0;
	[dreg:$0x9] =	wrdreg s25;
	s23 =	simm.s32 $0xC200  }
.LBB2_1:
0x17: {  	s24 =	rddreg [dreg:$0x5];
	s25 =	simm.s32 $0x80;
	s26 =	simm.s32 $0x100  }
0x18: {  	[tilespmem:s3], [sflag:$0xB] =	stream.strided.gather [hbm4b:s24+s25], $0x200, s26, s25, $0x38;
	[tilespmem:$0x14200] =	vst v63  }
0x19: {  	[dreg:$0xb] =	wrdreg s0;
	s25 =	simm.s32 $0xB  }
0x1a: {  	_ =	swait.ge [sflag:s25], $0x200  }
0x1b: {  	[sflag:s25] =	ssyncset.done $0x0  }
0x1c: {  	[sflag:s25] =	ssyncadd.s32 $0xFFFFFE00  }
0x1d: {  	v2 =	vld.msk [tilespmem:$0x0], $0xff;
	_ =	sdelay $0x4  }
0x1e: {  	v3 =	vshll.u32 v2, $0x4  }
0x1f: {  	v2 =	vand.u32 $0x7, v2;
	v3 =	vand.u32 $0xFFFFFF80, v3  }
0x20: {  	v2 =	vor.u32 v2, v3  }
0x21: {  	v2 =	vperm.xlane v2, v0;
	_ =	sdelay $0x1  }
0x22: {  	v2 =	vadd.s32 v1, v2;
	_ =	sdelay $0x4  }
0x23: {  	[tilespmem:s20], [sflag:$0x1] =	stream.indirect_vreg.gather [hbm4b:s1+s3], $0x80, v2, vm0, $0xb8;
	[tilespmem:$0x14200] =	vst v63  }
0x24: {  	_ = 	snop  }
0x25: {  	[tilespmem:s28], [sflag:$0x1] =	stream.indirect_vreg.gather [hbm4b:s5+s3], $0x80, v2, vm0, $0xb8;
	[tilespmem:$0x14200] =	vst v63  }
0x26: {  	_ = 	snop  }
0x27: {  	[tilespmem:s30], [sflag:$0x1] =	stream.indirect_vreg.gather [hbm4b:s6+s3], $0x80, v2, vm0, $0xb8;
	[tilespmem:$0x14200] =	vst v63  }
0x28: {  	s26 =	simm.s32 $0x1A00  }
0x29: {  	[tilespmem:s26], [sflag:$0x1] =	stream.indirect_vreg.gather [hbm4b:s7+s3], $0x80, v2, vm0, $0xb8;
	[tilespmem:$0x14200] =	vst v63  }
0x2a: {  	s24 =	simm.s32 $0x2200  }
0x2b: {  	[tilespmem:s24], [sflag:$0x1] =	stream.indirect_vreg.gather [hbm4b:s8+s3], $0x80, v2, vm0, $0xb8;
	[tilespmem:$0x14200] =	vst v63  }
0x2c: {  	s25 =	simm.s32 $0x2A00  }
0x2d: {  	[tilespmem:s25], [sflag:$0x1] =	stream.indirect_vreg.gather [hbm4b:s9+s3], $0x80, v2, vm0, $0xb8;
	[tilespmem:$0x14200] =	vst v63  }
0x2e: {  	s26 =	simm.s32 $0x3200  }
0x2f: {  	[tilespmem:s26], [sflag:$0x1] =	stream.indirect_vreg.gather [hbm4b:s10+s3], $0x80, v2, vm0, $0xb8;
	[tilespmem:$0x14200] =	vst v63  }
0x30: {  	s24 =	simm.s32 $0x3A00  }
0x31: {  	[tilespmem:s24], [sflag:$0x1] =	stream.indirect_vreg.gather [hbm4b:s11+s3], $0x80, v2, vm0, $0xb8;
	[tilespmem:$0x14200] =	vst v63  }
0x32: {  	v2 =	vld.msk [tilespmem:$0x8], $0xff;
	_ =	sdelay $0x4  }
0x33: {  	v3 =	vshll.u32 v2, $0x4  }
0x34: {  	v2 =	vand.u32 $0x7, v2;
	v3 =	vand.u32 $0xFFFFFF80, v3  }
0x35: {  	v2 =	vor.u32 v2, v3  }
0x36: {  	v2 =	vperm.xlane v2, v0;
	_ =	sdelay $0x1  }
0x37: {  	v2 =	vadd.s32 v1, v2;
	_ =	sdelay $0x4  }
0x38: {  	[tilespmem:s29], [sflag:$0x2] =	stream.indirect_vreg.gather [hbm4b:s1+s3], $0x80, v2, vm0, $0xb8;
	[tilespmem:$0x14200] =	vst v63  }
0x39: {  	s25 =	simm.s32 $0x4A00  }
0x3a: {  	[tilespmem:s25], [sflag:$0x2] =	stream.indirect_vreg.gather [hbm4b:s5+s3], $0x80, v2, vm0, $0xb8;
	[tilespmem:$0x14200] =	vst v63  }
0x3b: {  	s26 =	simm.s32 $0x5200  }
0x3c: {  	[tilespmem:s26], [sflag:$0x2] =	stream.indirect_vreg.gather [hbm4b:s6+s3], $0x80, v2, vm0, $0xb8;
	[tilespmem:$0x14200] =	vst v63  }
0x3d: {  	s24 =	simm.s32 $0x5A00  }
0x3e: {  	[tilespmem:s24], [sflag:$0x2] =	stream.indirect_vreg.gather [hbm4b:s7+s3], $0x80, v2, vm0, $0xb8;
	[tilespmem:$0x14200] =	vst v63  }
0x3f: {  	s25 =	simm.s32 $0x6200  }
0x40: {  	[tilespmem:s25], [sflag:$0x2] =	stream.indirect_vreg.gather [hbm4b:s8+s3], $0x80, v2, vm0, $0xb8;
	[tilespmem:$0x14200] =	vst v63  }
0x41: {  	s26 =	simm.s32 $0x6A00  }
0x42: {  	[tilespmem:s26], [sflag:$0x2] =	stream.indirect_vreg.gather [hbm4b:s9+s3], $0x80, v2, vm0, $0xb8;
	[tilespmem:$0x14200] =	vst v63  }
0x43: {  	s24 =	simm.s32 $0x7200  }
0x44: {  	[tilespmem:s24], [sflag:$0x2] =	stream.indirect_vreg.gather [hbm4b:s10+s3], $0x80, v2, vm0, $0xb8;
	[tilespmem:$0x14200] =	vst v63  }
0x45: {  	s25 =	simm.s32 $0x7A00  }
0x46: {  	[tilespmem:s25], [sflag:$0x2] =	stream.indirect_vreg.gather [hbm4b:s11+s3], $0x80, v2, vm0, $0xb8;
	[tilespmem:$0x14200] =	vst v63  }
0x47: {  	v2 =	vld.msk [tilespmem:$0x10], $0xff;
	_ =	sdelay $0x4  }
0x48: {  	v3 =	vshll.u32 v2, $0x4  }
0x49: {  	v2 =	vand.u32 $0x7, v2;
	v3 =	vand.u32 $0xFFFFFF80, v3  }
0x4a: {  	v2 =	vor.u32 v2, v3  }
0x4b: {  	v2 =	vperm.xlane v2, v0;
	_ =	sdelay $0x1  }
0x4c: {  	v2 =	vadd.s32 v1, v2;
	_ =	sdelay $0x4  }
0x4d: {  	[tilespmem:s13], [sflag:$0x3] =	stream.indirect_vreg.gather [hbm4b:s1+s3], $0x80, v2, vm0, $0xb8;
	[tilespmem:$0x14200] =	vst v63  }
0x4e: {  	s26 =	simm.s32 $0x8A00  }
0x4f: {  	[tilespmem:s26], [sflag:$0x3] =	stream.indirect_vreg.gather [hbm4b:s5+s3], $0x80, v2, vm0, $0xb8;
	[tilespmem:$0x14200] =	vst v63  }
0x50: {  	s24 =	simm.s32 $0x9200  }
0x51: {  	[tilespmem:s24], [sflag:$0x3] =	stream.indirect_vreg.gather [hbm4b:s6+s3], $0x80, v2, vm0, $0xb8;
	[tilespmem:$0x14200] =	vst v63  }
0x52: {  	s25 =	simm.s32 $0x9A00  }
0x53: {  	[tilespmem:s25], [sflag:$0x3] =	stream.indirect_vreg.gather [hbm4b:s7+s3], $0x80, v2, vm0, $0xb8;
	[tilespmem:$0x14200] =	vst v63  }
0x54: {  	s26 =	simm.s32 $0xA200  }
0x55: {  	[tilespmem:s26], [sflag:$0x3] =	stream.indirect_vreg.gather [hbm4b:s8+s3], $0x80, v2, vm0, $0xb8;
	[tilespmem:$0x14200] =	vst v63  }
0x56: {  	s24 =	simm.s32 $0xAA00  }
0x57: {  	[tilespmem:s24], [sflag:$0x3] =	stream.indirect_vreg.gather [hbm4b:s9+s3], $0x80, v2, vm0, $0xb8;
	[tilespmem:$0x14200] =	vst v63  }
0x58: {  	s25 =	simm.s32 $0xB200  }
0x59: {  	[tilespmem:s25], [sflag:$0x3] =	stream.indirect_vreg.gather [hbm4b:s10+s3], $0x80, v2, vm0, $0xb8;
	[tilespmem:$0x14200] =	vst v63  }
0x5a: {  	s26 =	simm.s32 $0xBA00  }
0x5b: {  	[tilespmem:s26], [sflag:$0x3] =	stream.indirect_vreg.gather [hbm4b:s11+s3], $0x80, v2, vm0, $0xb8;
	[tilespmem:$0x14200] =	vst v63  }
0x5c: {  	v2 =	vld.msk [tilespmem:$0x18], $0xff;
	_ =	sdelay $0x4  }
0x5d: {  	v3 =	vshll.u32 v2, $0x4  }
0x5e: {  	v2 =	vand.u32 $0x7, v2;
	v3 =	vand.u32 $0xFFFFFF80, v3  }
0x5f: {  	v2 =	vor.u32 v2, v3  }
0x60: {  	v2 =	vperm.xlane v2, v0;
	_ =	sdelay $0x1  }
0x61: {  	v2 =	vadd.s32 v1, v2;
	_ =	sdelay $0x4  }
0x62: {  	[tilespmem:s23], [sflag:$0x4] =	stream.indirect_vreg.gather [hbm4b:s1+s3], $0x80, v2, vm0, $0xb8;
	[tilespmem:$0x14200] =	vst v63  }
0x63: {  	s24 =	simm.s32 $0xCA00  }
0x64: {  	[tilespmem:s24], [sflag:$0x4] =	stream.indirect_vreg.gather [hbm4b:s5+s3], $0x80, v2, vm0, $0xb8;
	[tilespmem:$0x14200] =	vst v63  }
0x65: {  	s25 =	simm.s32 $0xD200  }
0x66: {  	[tilespmem:s25], [sflag:$0x4] =	stream.indirect_vreg.gather [hbm4b:s6+s3], $0x80, v2, vm0, $0xb8;
	[tilespmem:$0x14200] =	vst v63  }
0x67: {  	s26 =	simm.s32 $0xDA00  }
0x68: {  	[tilespmem:s26], [sflag:$0x4] =	stream.indirect_vreg.gather [hbm4b:s7+s3], $0x80, v2, vm0, $0xb8;
	[tilespmem:$0x14200] =	vst v63  }
0x69: {  	s24 =	simm.s32 $0xE200  }
0x6a: {  	[tilespmem:s24], [sflag:$0x4] =	stream.indirect_vreg.gather [hbm4b:s8+s3], $0x80, v2, vm0, $0xb8;
	[tilespmem:$0x14200] =	vst v63  }
0x6b: {  	s25 =	simm.s32 $0xEA00  }
0x6c: {  	[tilespmem:s25], [sflag:$0x4] =	stream.indirect_vreg.gather [hbm4b:s9+s3], $0x80, v2, vm0, $0xb8;
	[tilespmem:$0x14200] =	vst v63  }
0x6d: {  	_ = 	snop  }
0x6e: {  	[tilespmem:s31], [sflag:$0x4] =	stream.indirect_vreg.gather [hbm4b:s10+s3], $0x80, v2, vm0, $0xb8;
	[tilespmem:$0x14200] =	vst v63  }
0x6f: {  	s0 =	simm.s32 $0xFA00  }
0x70: {  	[tilespmem:s0], [sflag:$0x4] =	stream.indirect_vreg.gather [hbm4b:s11+s3], $0x80, v2, vm0, $0xb8;
	[tilespmem:$0x14200] =	vst v63  }
0x71: {  	_ =	swait.ge [sflag:s2], $0x4000  }
0x72: {  	[sflag:s2] =	ssyncset.done $0x0  }
0x73: {  	s26 =	rddreg [dreg:$0x6];
	[sflag:s2] =	ssyncadd.s32 $0xFFFFC000  }
0x74: {  	[hbm4b:s26+s3] =	stream.linear.scatter [tilespmem:s20], [sflag:$0x6], $0x4000, $0x38;
	[tilespmem:$0x14200] =	vst v63  }
0x75: {  	v2 =	vld.msk [tilespmem:$0x20], $0xff;
	_ =	sdelay $0x4  }
0x76: {  	v3 =	vshll.u32 v2, $0x4  }
0x77: {  	v2 =	vand.u32 $0x7, v2;
	v3 =	vand.u32 $0xFFFFFF80, v3  }
0x78: {  	v2 =	vor.u32 v2, v3  }
0x79: {  	v2 =	vperm.xlane v2, v0;
	_ =	sdelay $0x1  }
0x7a: {  	v2 =	vadd.s32 v1, v2;
	_ =	sdelay $0x4  }
0x7b: {  	[tilespmem:s17], [sflag:$0x5] =	stream.indirect_vreg.gather [hbm4b:s1+s3], $0x80, v2, vm0, $0xb8;
	[tilespmem:$0x14200] =	vst v63  }
0x7c: {  	s25 =	simm.s32 $0x10A00  }
0x7d: {  	[tilespmem:s25], [sflag:$0x5] =	stream.indirect_vreg.gather [hbm4b:s5+s3], $0x80, v2, vm0, $0xb8;
	[tilespmem:$0x14200] =	vst v63  }
0x7e: {  	s26 =	simm.s32 $0x11200  }
0x7f: {  	[tilespmem:s26], [sflag:$0x5] =	stream.indirect_vreg.gather [hbm4b:s6+s3], $0x80, v2, vm0, $0xb8;
	[tilespmem:$0x14200] =	vst v63  }
0x80: {  	s25 =	simm.s32 $0x11A00  }
0x81: {  	[tilespmem:s25], [sflag:$0x5] =	stream.indirect_vreg.gather [hbm4b:s7+s3], $0x80, v2, vm0, $0xb8;
	[tilespmem:$0x14200] =	vst v63  }
0x82: {  	s26 =	simm.s32 $0x12200  }
0x83: {  	[tilespmem:s26], [sflag:$0x5] =	stream.indirect_vreg.gather [hbm4b:s8+s3], $0x80, v2, vm0, $0xb8;
	[tilespmem:$0x14200] =	vst v63  }
0x84: {  	s25 =	simm.s32 $0x12A00  }
0x85: {  	[tilespmem:s25], [sflag:$0x5] =	stream.indirect_vreg.gather [hbm4b:s9+s3], $0x80, v2, vm0, $0xb8;
	[tilespmem:$0x14200] =	vst v63  }
0x86: {  	s26 =	simm.s32 $0x13200  }
0x87: {  	[tilespmem:s26], [sflag:$0x5] =	stream.indirect_vreg.gather [hbm4b:s10+s3], $0x80, v2, vm0, $0xb8;
	[tilespmem:$0x14200] =	vst v63  }
0x88: {  	s25 =	simm.s32 $0x13A00  }
0x89: {  	[tilespmem:s25], [sflag:$0x5] =	stream.indirect_vreg.gather [hbm4b:s11+s3], $0x80, v2, vm0, $0xb8;
	[tilespmem:$0x14200] =	vst v63  }
0x8a: {  	_ =	swait.ge [sflag:s18], $0x4000  }
0x8b: {  	s24 =	simm.s32 $0x48;
	[sflag:s18] =	ssyncset.done $0x0  }
0x8c: {  	s25 =	simm.s32 $0x0;
	s26 =	rddreg [dreg:$0x7];
	[sflag:s18] =	ssyncadd.s32 $0xFFFFC000  }
0x8d: {  	[hbm4b:s26+s3] =	stream.linear.scatter [tilespmem:s29], [sflag:$0x7], $0x4000, $0x38;
	[tilespmem:$0x14200] =	vst v63  }
.LBB2_2:
0x8e: {  	_ =	swait.ge [sflag:s4], $0x4000  }
0x8f: {  	[sflag:s4] =	ssyncset.done $0x0  }
0x90: {  	[sflag:s4] =	ssyncadd.s32 $0xFFFFC000  }
0x91: {  	v2 =	vld.msk [tilespmem:s24+$0xFFFFFFE0], $0xff;
	_ =	sdelay $0x4  }
0x92: {  	v3 =	vshll.u32 v2, $0x4  }
0x93: {  	v2 =	vand.u32 $0x7, v2;
	v3 =	vand.u32 $0xFFFFFF80, v3  }
0x94: {  	v2 =	vor.u32 v2, v3  }
0x95: {  	v2 =	vperm.xlane v2, v0;
	_ =	sdelay $0x1  }
0x96: {  	v2 =	vadd.s32 v1, v2;
	_ =	sdelay $0x4  }
0x97: {  	[tilespmem:s20], [sflag:$0x1] =	stream.indirect_vreg.gather [hbm4b:s1+s3], $0x80, v2, vm0, $0xb8;
	[tilespmem:$0x14200] =	vst v63  }
0x98: {  	_ = 	snop  }
0x99: {  	[tilespmem:s28], [sflag:$0x1] =	stream.indirect_vreg.gather [hbm4b:s5+s3], $0x80, v2, vm0, $0xb8;
	[tilespmem:$0x14200] =	vst v63  }
0x9a: {  	_ = 	snop  }
0x9b: {  	[tilespmem:s30], [sflag:$0x1] =	stream.indirect_vreg.gather [hbm4b:s6+s3], $0x80, v2, vm0, $0xb8;
	[tilespmem:$0x14200] =	vst v63  }
0x9c: {  	s26 =	simm.s32 $0x1A00  }
0x9d: {  	[tilespmem:s26], [sflag:$0x1] =	stream.indirect_vreg.gather [hbm4b:s7+s3], $0x80, v2, vm0, $0xb8;
	[tilespmem:$0x14200] =	vst v63  }
0x9e: {  	s26 =	simm.s32 $0x2200  }
0x9f: {  	[tilespmem:s26], [sflag:$0x1] =	stream.indirect_vreg.gather [hbm4b:s8+s3], $0x80, v2, vm0, $0xb8;
	[tilespmem:$0x14200] =	vst v63  }
0xa0: {  	s26 =	simm.s32 $0x2A00  }
0xa1: {  	[tilespmem:s26], [sflag:$0x1] =	stream.indirect_vreg.gather [hbm4b:s9+s3], $0x80, v2, vm0, $0xb8;
	[tilespmem:$0x14200] =	vst v63  }
0xa2: {  	s26 =	simm.s32 $0x3200  }
0xa3: {  	[tilespmem:s26], [sflag:$0x1] =	stream.indirect_vreg.gather [hbm4b:s10+s3], $0x80, v2, vm0, $0xb8;
	[tilespmem:$0x14200] =	vst v63  }
0xa4: {  	s26 =	simm.s32 $0x3A00  }
0xa5: {  	[tilespmem:s26], [sflag:$0x1] =	stream.indirect_vreg.gather [hbm4b:s11+s3], $0x80, v2, vm0, $0xb8;
	[tilespmem:$0x14200] =	vst v63  }
0xa6: {  	_ =	swait.ge [sflag:s14], $0x4000  }
0xa7: {  	s26 =	rddreg [dreg:$0x4]  }
0xa8: {  	[sflag:s14] =	ssyncset.done $0x0;
	s26 =	sadd.s32 s25, s26  }
0xa9: {  	[sflag:s14] =	ssyncadd.s32 $0xFFFFC000;
	s28 =	sadd.s32 $0x1000, s26  }
0xaa: {  	[hbm4b:s28+s3] =	stream.linear.scatter [tilespmem:s13], [sflag:$0x8], $0x4000, $0x38;
	[tilespmem:$0x14200] =	vst v63  }
0xab: {  	_ =	swait.ge [sflag:s15], $0x4000  }
0xac: {  	[sflag:s15] =	ssyncset.done $0x0  }
0xad: {  	[sflag:s15] =	ssyncadd.s32 $0xFFFFC000  }
0xae: {  	v2 =	vld.msk [tilespmem:s24+$0xFFFFFFE8], $0xff;
	_ =	sdelay $0x4  }
0xaf: {  	v3 =	vshll.u32 v2, $0x4  }
0xb0: {  	v2 =	vand.u32 $0x7, v2;
	v3 =	vand.u32 $0xFFFFFF80, v3  }
0xb1: {  	v2 =	vor.u32 v2, v3  }
0xb2: {  	v2 =	vperm.xlane v2, v0;
	_ =	sdelay $0x1  }
0xb3: {  	v2 =	vadd.s32 v1, v2;
	_ =	sdelay $0x4  }
0xb4: {  	[tilespmem:s29], [sflag:$0x2] =	stream.indirect_vreg.gather [hbm4b:s1+s3], $0x80, v2, vm0, $0xb8;
	[tilespmem:$0x14200] =	vst v63  }
0xb5: {  	s28 =	simm.s32 $0x4A00  }
0xb6: {  	[tilespmem:s28], [sflag:$0x2] =	stream.indirect_vreg.gather [hbm4b:s5+s3], $0x80, v2, vm0, $0xb8;
	[tilespmem:$0x14200] =	vst v63  }
0xb7: {  	s28 =	simm.s32 $0x5200  }
0xb8: {  	[tilespmem:s28], [sflag:$0x2] =	stream.indirect_vreg.gather [hbm4b:s6+s3], $0x80, v2, vm0, $0xb8;
	[tilespmem:$0x14200] =	vst v63  }
0xb9: {  	s28 =	simm.s32 $0x5A00  }
0xba: {  	[tilespmem:s28], [sflag:$0x2] =	stream.indirect_vreg.gather [hbm4b:s7+s3], $0x80, v2, vm0, $0xb8;
	[tilespmem:$0x14200] =	vst v63  }
0xbb: {  	s28 =	simm.s32 $0x6200  }
0xbc: {  	[tilespmem:s28], [sflag:$0x2] =	stream.indirect_vreg.gather [hbm4b:s8+s3], $0x80, v2, vm0, $0xb8;
	[tilespmem:$0x14200] =	vst v63  }
0xbd: {  	s28 =	simm.s32 $0x6A00  }
0xbe: {  	[tilespmem:s28], [sflag:$0x2] =	stream.indirect_vreg.gather [hbm4b:s9+s3], $0x80, v2, vm0, $0xb8;
	[tilespmem:$0x14200] =	vst v63  }
0xbf: {  	s28 =	simm.s32 $0x7200  }
0xc0: {  	[tilespmem:s28], [sflag:$0x2] =	stream.indirect_vreg.gather [hbm4b:s10+s3], $0x80, v2, vm0, $0xb8;
	[tilespmem:$0x14200] =	vst v63  }
0xc1: {  	s28 =	simm.s32 $0x7A00  }
0xc2: {  	[tilespmem:s28], [sflag:$0x2] =	stream.indirect_vreg.gather [hbm4b:s11+s3], $0x80, v2, vm0, $0xb8;
	[tilespmem:$0x14200] =	vst v63  }
0xc3: {  	_ =	swait.ge [sflag:s16], $0x4000  }
0xc4: {  	[sflag:s16] =	ssyncset.done $0x0  }
0xc5: {  	s28 =	sadd.s32 $0x1800, s26;
	[sflag:s16] =	ssyncadd.s32 $0xFFFFC000  }
0xc6: {  	[hbm4b:s28+s3] =	stream.linear.scatter [tilespmem:s23], [sflag:$0x9], $0x4000, $0x38;
	[tilespmem:$0x14200] =	vst v63  }
0xc7: {  	_ =	swait.ge [sflag:s12], $0x4000  }
0xc8: {  	[sflag:s12] =	ssyncset.done $0x0  }
0xc9: {  	[sflag:s12] =	ssyncadd.s32 $0xFFFFC000  }
0xca: {  	v2 =	vld.msk [tilespmem:s24+$0xFFFFFFF0], $0xff;
	_ =	sdelay $0x4  }
0xcb: {  	v3 =	vshll.u32 v2, $0x4  }
0xcc: {  	v2 =	vand.u32 $0x7, v2;
	v3 =	vand.u32 $0xFFFFFF80, v3  }
0xcd: {  	v2 =	vor.u32 v2, v3  }
0xce: {  	v2 =	vperm.xlane v2, v0;
	_ =	sdelay $0x1  }
0xcf: {  	v2 =	vadd.s32 v1, v2;
	_ =	sdelay $0x4  }
0xd0: {  	[tilespmem:s13], [sflag:$0x3] =	stream.indirect_vreg.gather [hbm4b:s1+s3], $0x80, v2, vm0, $0xb8;
	[tilespmem:$0x14200] =	vst v63  }
0xd1: {  	s28 =	simm.s32 $0x8A00  }
0xd2: {  	[tilespmem:s28], [sflag:$0x3] =	stream.indirect_vreg.gather [hbm4b:s5+s3], $0x80, v2, vm0, $0xb8;
	[tilespmem:$0x14200] =	vst v63  }
0xd3: {  	s28 =	simm.s32 $0x9200  }
0xd4: {  	[tilespmem:s28], [sflag:$0x3] =	stream.indirect_vreg.gather [hbm4b:s6+s3], $0x80, v2, vm0, $0xb8;
	[tilespmem:$0x14200] =	vst v63  }
0xd5: {  	s28 =	simm.s32 $0x9A00  }
0xd6: {  	[tilespmem:s28], [sflag:$0x3] =	stream.indirect_vreg.gather [hbm4b:s7+s3], $0x80, v2, vm0, $0xb8;
	[tilespmem:$0x14200] =	vst v63  }
0xd7: {  	s28 =	simm.s32 $0xA200  }
0xd8: {  	[tilespmem:s28], [sflag:$0x3] =	stream.indirect_vreg.gather [hbm4b:s8+s3], $0x80, v2, vm0, $0xb8;
	[tilespmem:$0x14200] =	vst v63  }
0xd9: {  	s28 =	simm.s32 $0xAA00  }
0xda: {  	[tilespmem:s28], [sflag:$0x3] =	stream.indirect_vreg.gather [hbm4b:s9+s3], $0x80, v2, vm0, $0xb8;
	[tilespmem:$0x14200] =	vst v63  }
0xdb: {  	s28 =	simm.s32 $0xB200  }
0xdc: {  	[tilespmem:s28], [sflag:$0x3] =	stream.indirect_vreg.gather [hbm4b:s10+s3], $0x80, v2, vm0, $0xb8;
	[tilespmem:$0x14200] =	vst v63  }
0xdd: {  	s28 =	simm.s32 $0xBA00  }
0xde: {  	[tilespmem:s28], [sflag:$0x3] =	stream.indirect_vreg.gather [hbm4b:s11+s3], $0x80, v2, vm0, $0xb8;
	[tilespmem:$0x14200] =	vst v63  }
0xdf: {  	_ =	swait.ge [sflag:s19], $0x4000  }
0xe0: {  	[sflag:s19] =	ssyncset.done $0x0  }
0xe1: {  	s28 =	sadd.s32 $0x2000, s26;
	[sflag:s19] =	ssyncadd.s32 $0xFFFFC000  }
0xe2: {  	[hbm4b:s28+s3] =	stream.linear.scatter [tilespmem:s17], [sflag:$0xA], $0x4000, $0x38;
	[tilespmem:$0x14200] =	vst v63  }
0xe3: {  	_ =	swait.ge [sflag:s21], $0x4000  }
0xe4: {  	[sflag:s21] =	ssyncset.done $0x0  }
0xe5: {  	[sflag:s21] =	ssyncadd.s32 $0xFFFFC000  }
0xe6: {  	v2 =	vld.msk [tilespmem:s24+$0xFFFFFFF8], $0xff;
	_ =	sdelay $0x4  }
0xe7: {  	v3 =	vshll.u32 v2, $0x4  }
0xe8: {  	v2 =	vand.u32 $0x7, v2;
	v3 =	vand.u32 $0xFFFFFF80, v3  }
0xe9: {  	v2 =	vor.u32 v2, v3  }
0xea: {  	v2 =	vperm.xlane v2, v0;
	_ =	sdelay $0x1  }
0xeb: {  	v2 =	vadd.s32 v1, v2;
	_ =	sdelay $0x4  }
0xec: {  	[tilespmem:s23], [sflag:$0x4] =	stream.indirect_vreg.gather [hbm4b:s1+s3], $0x80, v2, vm0, $0xb8;
	[tilespmem:$0x14200] =	vst v63  }
0xed: {  	s28 =	simm.s32 $0xCA00  }
0xee: {  	[tilespmem:s28], [sflag:$0x4] =	stream.indirect_vreg.gather [hbm4b:s5+s3], $0x80, v2, vm0, $0xb8;
	[tilespmem:$0x14200] =	vst v63  }
0xef: {  	s28 =	simm.s32 $0xD200  }
0xf0: {  	[tilespmem:s28], [sflag:$0x4] =	stream.indirect_vreg.gather [hbm4b:s6+s3], $0x80, v2, vm0, $0xb8;
	[tilespmem:$0x14200] =	vst v63  }
0xf1: {  	s28 =	simm.s32 $0xDA00  }
0xf2: {  	[tilespmem:s28], [sflag:$0x4] =	stream.indirect_vreg.gather [hbm4b:s7+s3], $0x80, v2, vm0, $0xb8;
	[tilespmem:$0x14200] =	vst v63  }
0xf3: {  	s28 =	simm.s32 $0xE200  }
0xf4: {  	[tilespmem:s28], [sflag:$0x4] =	stream.indirect_vreg.gather [hbm4b:s8+s3], $0x80, v2, vm0, $0xb8;
	[tilespmem:$0x14200] =	vst v63  }
0xf5: {  	s28 =	simm.s32 $0xEA00  }
0xf6: {  	[tilespmem:s28], [sflag:$0x4] =	stream.indirect_vreg.gather [hbm4b:s9+s3], $0x80, v2, vm0, $0xb8;
	[tilespmem:$0x14200] =	vst v63  }
0xf7: {  	_ = 	snop  }
0xf8: {  	[tilespmem:s31], [sflag:$0x4] =	stream.indirect_vreg.gather [hbm4b:s10+s3], $0x80, v2, vm0, $0xb8;
	[tilespmem:$0x14200] =	vst v63  }
0xf9: {  	_ = 	snop  }
0xfa: {  	[tilespmem:s0], [sflag:$0x4] =	stream.indirect_vreg.gather [hbm4b:s11+s3], $0x80, v2, vm0, $0xb8;
	[tilespmem:$0x14200] =	vst v63  }
0xfb: {  	_ =	swait.ge [sflag:s2], $0x4000  }
0xfc: {  	[sflag:s2] =	ssyncset.done $0x0  }
0xfd: {  	s28 =	sadd.s32 $0x2800, s26;
	[sflag:s2] =	ssyncadd.s32 $0xFFFFC000  }
0xfe: {  	[hbm4b:s28+s3] =	stream.linear.scatter [tilespmem:s20], [sflag:$0x6], $0x4000, $0x38;
	[tilespmem:$0x14200] =	vst v63  }
0xff: {  	_ =	swait.ge [sflag:s22], $0x4000  }
0x100: {  	[sflag:s22] =	ssyncset.done $0x0  }
0x101: {  	p0 =	seq.s32 s25, $0x1B800;
	[sflag:s22] =	ssyncadd.s32 $0xFFFFC000  }
0x102: {  	v2 =	vld.msk @!p0 [tilespmem:s24+$0x0], $0xff;
	_ =	sdelay $0x4  }
0x103: {  	v3 =	vshll.u32 @!p0 v2, $0x4  }
0x104: {  	v4 =	vlaneseq.u32 @!p0;
	v2 =	vand.u32 @!p0 $0x7, v2;
	v3 =	vand.u32 @!p0 $0xFFFFFF80, v3  }
0x105: {  	v2 =	vor.u32 @!p0 v2, v3;
	v3 =	vand.u32 @!p0 $0x7, v4;
	v4 =	vshrl.u32 @!p0 v4, $0x3  }
0x106: {  	v2 =	vperm.xlane @!p0 v2, v3;
	v3 =	vmul.u32 @!p0 $0x8, v4;
	_ =	sdelay $0x1  }
0x107: {  	v2 =	vadd.s32 @!p0 v3, v2;
	_ =	sdelay $0x3  }
0x108: {  	vm1 =	vmmov @!p0 $0xffff;
	s30 =	simm.s32 @!p0 $0x10200;
	s28 =	simm.s32 @!p0 $0x0  }
0x109: {  	[tilespmem:s30], [sflag:$0x5] =	stream.indirect_vreg.gather @!p0 [hbm4b:s1+s28], $0x80, v2, vm1, $0xb8;
	[tilespmem:$0x14200] =	vst v63  }
0x10a: {  	s30 =	simm.s32 @!p0 $0x10A00  }
0x10b: {  	[tilespmem:s30], [sflag:$0x5] =	stream.indirect_vreg.gather @!p0 [hbm4b:s5+s28], $0x80, v2, vm1, $0xb8;
	[tilespmem:$0x14200] =	vst v63  }
0x10c: {  	s30 =	simm.s32 @!p0 $0x11200  }
0x10d: {  	[tilespmem:s30], [sflag:$0x5] =	stream.indirect_vreg.gather @!p0 [hbm4b:s6+s28], $0x80, v2, vm1, $0xb8;
	[tilespmem:$0x14200] =	vst v63  }
0x10e: {  	s30 =	simm.s32 @!p0 $0x11A00  }
0x10f: {  	[tilespmem:s30], [sflag:$0x5] =	stream.indirect_vreg.gather @!p0 [hbm4b:s7+s28], $0x80, v2, vm1, $0xb8;
	[tilespmem:$0x14200] =	vst v63  }
0x110: {  	s30 =	simm.s32 @!p0 $0x12200  }
0x111: {  	[tilespmem:s30], [sflag:$0x5] =	stream.indirect_vreg.gather @!p0 [hbm4b:s8+s28], $0x80, v2, vm1, $0xb8;
	[tilespmem:$0x14200] =	vst v63  }
0x112: {  	s30 =	simm.s32 @!p0 $0x12A00  }
0x113: {  	[tilespmem:s30], [sflag:$0x5] =	stream.indirect_vreg.gather @!p0 [hbm4b:s9+s28], $0x80, v2, vm1, $0xb8;
	[tilespmem:$0x14200] =	vst v63  }
0x114: {  	s30 =	simm.s32 @!p0 $0x13200  }
0x115: {  	[tilespmem:s30], [sflag:$0x5] =	stream.indirect_vreg.gather @!p0 [hbm4b:s10+s28], $0x80, v2, vm1, $0xb8;
	[tilespmem:$0x14200] =	vst v63  }
0x116: {  	s25 =	sadd.s32 $0x2800, s25;
	s30 =	simm.s32 @!p0 $0x13A00  }
0x117: {  	[tilespmem:s30], [sflag:$0x5] =	stream.indirect_vreg.gather @!p0 [hbm4b:s11+s28], $0x80, v2, vm1, $0xb8;
	[tilespmem:$0x14200] =	vst v63  }
0x118: {  	p0 =	sne.s32 s25, $0x1E000  }
.Ltmp0:
0x119: {  	_ = 	snop;
	(pc) =	sbr.rel @p0 .LBB2_2-.Ltmp0, $4  }
0x11a: {  	_ =	swait.ge [sflag:s18], $0x4000  }
0x11b: {  	s26 =	sadd.s32 $0x3000, s26;
	s24 =	sadd.s32 $0x28, s24;
	[sflag:s18] =	ssyncset.done $0x0  }
0x11c: {  	s30 =	simm.s32 $0x1200;
	s28 =	simm.s32 $0xA00;
	[sflag:s18] =	ssyncadd.s32 $0xFFFFC000  }
0x11d: {  	[hbm4b:s26+s3] =	stream.linear.scatter [tilespmem:s29], [sflag:$0x7], $0x4000, $0x38;
	[tilespmem:$0x14200] =	vst v63  }
0x11e: {  	_ =	swait.ge [sflag:s4], $0x4000  }
0x11f: {  	[sflag:s4] =	ssyncset.done $0x0  }
0x120: {  	[sflag:s4] =	ssyncadd.s32 $0xFFFFC000  }
0x121: {  	_ =	swait.ge [sflag:s14], $0x4000  }
0x122: {  	[sflag:s14] =	ssyncset.done $0x0  }
0x123: {  	s24 =	rddreg [dreg:$0x8];
	[sflag:s14] =	ssyncadd.s32 $0xFFFFC000  }
0x124: {  	[hbm4b:s24+s3] =	stream.linear.scatter [tilespmem:s13], [sflag:$0x8], $0x4000, $0x38;
	[tilespmem:$0x14200] =	vst v63  }
0x125: {  	_ =	swait.ge [sflag:s15], $0x4000  }
0x126: {  	[sflag:s15] =	ssyncset.done $0x0  }
0x127: {  	[sflag:s15] =	ssyncadd.s32 $0xFFFFC000  }
0x128: {  	_ =	swait.ge [sflag:s16], $0x4000  }
0x129: {  	[sflag:s16] =	ssyncset.done $0x0  }
0x12a: {  	s25 =	rddreg [dreg:$0x9];
	[sflag:s16] =	ssyncadd.s32 $0xFFFFC000  }
0x12b: {  	[hbm4b:s25+s3] =	stream.linear.scatter [tilespmem:s23], [sflag:$0x9], $0x4000, $0x38;
	[tilespmem:$0x14200] =	vst v63  }
0x12c: {  	_ =	swait.ge [sflag:s12], $0x4000  }
0x12d: {  	[sflag:s12] =	ssyncset.done $0x0  }
0x12e: {  	[sflag:s12] =	ssyncadd.s32 $0xFFFFC000  }
0x12f: {  	_ =	swait.ge [sflag:s21], $0x4000  }
0x130: {  	s0 =	rddreg [dreg:$0xb]  }
0x131: {  	s26 =	rddreg [dreg:$0xa];
	s0 =	sadd.s32 $0x1, s0  }
0x132: {  	p0 =	sne.s32 s0, s26  }
.Ltmp1:
0x133: {  	_ = 	snop;
	(pc) =	sbr.rel @p0 .LBB2_1-.Ltmp1, $3  }
0x134: {  	_ =	sdelay $0x1  }
0x135: {  	[sflag:s21] =	ssyncset.done $0x0  }
0x136: {  	[sflag:s21] =	ssyncadd.s32 $0xFFFFC000  }
0x137: {  	_ =	sfence.sel $0x180000  }
0x138: {  	[bflag:$0x0] =	sbarrier.arrive $0xFFFF  }
0x139: {  	_ =	strace $0x90000047  }
0x13a: {  	s0 =	stileid.u32;
	[bflag:$0x2] =	sbarrier.arrive $0xFFFF  }
0x13b: {  	p0 =	sne.s32 s0, $0x0;
	s0 =	rddreg [dreg:$0x3]  }
0x13c: {  	s0 =	sadd.s32 @!p0 $0x100000, s0  }
0x13d: {  	[sflag:s0] =	ssyncadd.tile.s32 @!p0 $0x1;
	_ =	shalt  }
.Lfunc_end2:
_tile_overlayer_lowered:
.L_overlay_start_2:
0x13e: {  	(tag) =	ssettag $0x2  }
0x13f: {  	s0 =	rddreg [dreg:$0x0];
	s2 =	stileid.u32  }
0x140: {  	s1 =	rddreg [dreg:$0x1];
	p0 =	sne.s32 s2, $0x0  }
0x141: {  	s3 =	rddreg [dreg:$0x2];
	[bflag:$0x3] =	sbarrier.arrive $0xFFFF;
	s2 =	simm.s32 @!p0 $0x1C0B  }
0x142: {  	[timem:s3], [sflag:s2] =	dma.local @!p0 [hbm:s0], s1  }
0x143: {  	s0 =	simm.s32 @!p0 $0xB  }
0x144: {  	_ =	swait.ge @!p0 [sflag:s0], s1  }
0x145: {  	s1 =	ssub.s32 @!p0 $0x0, s1;
	[sflag:s0] =	ssyncset.done @!p0 $0x0  }
0x146: {  	[sflag:s0] =	ssyncadd.s32 @!p0 s1  }
0x147: {  	[bflag:$0x3] =	sbarrier.arrive $0xFFFF  }
0x148: {  	_ =	shalt  }

</sc_bundles>
